<compile_context>
chip_gen: v7x
topology: tpu7x:2x2x1
jax: 0.10.2.dev20260603
libtpu: 0.0.44.dev20260713+nightly
codegen_flags: <defaults>
</compile_context>

<pallas_src>
import functools

import jax
import jax.numpy as jnp
from jax import lax
from jax.experimental import pallas as pl
from jax.experimental.pallas import tpu as pltpu
from jax.experimental.pallas import tpu_sc as plsc

_N = 10000
_E = 320000
_D_IN = 512
_H1 = 256
_LD = 128
_EPS = 1e-5

_R = 1000
_G = _N // _R

_NT = 16
_CH = 128
_CHT = 160
_EPT = _CHT * _CH
_EP = _NT * _EPT
_NP = 10240
_RPT = _NP // _NT


def _enc1_body(x_ref, w1t_ref, b1_ref, h_ref, s_ref, ss_ref):
    i = pl.program_id(0)
    h = jnp.dot(x_ref[...], w1t_ref[...], preferred_element_type=jnp.float32)
    h = h + b1_ref[...]
    h_ref[...] = h
    s = jnp.sum(h, axis=0, keepdims=True)
    ss = jnp.sum(h * h, axis=0, keepdims=True)

    @pl.when(i == 0)
    def _():
        s_ref[...] = s
        ss_ref[...] = ss

    @pl.when(i > 0)
    def _():
        s_ref[...] += s
        ss_ref[...] += ss


def _enc2_body(h_ref, s1_ref, ss1_ref, g1_ref, be1_ref, w2t_ref, b2_ref,
               z0_ref, s2_ref, ss2_ref):
    i = pl.program_id(0)
    m = s1_ref[...] / _N
    v = ss1_ref[...] / _N - m * m
    hn = (h_ref[...] - m) * lax.rsqrt(v + _EPS) * g1_ref[...] + be1_ref[...]
    hn = jnp.maximum(hn, 0.0)
    z0 = jnp.dot(hn, w2t_ref[...], preferred_element_type=jnp.float32)
    z0 = z0 + b2_ref[...]
    z0_ref[...] = z0
    s = jnp.sum(z0, axis=0, keepdims=True)
    ss = jnp.sum(z0 * z0, axis=0, keepdims=True)

    @pl.when(i == 0)
    def _():
        s2_ref[...] = s
        ss2_ref[...] = ss

    @pl.when(i > 0)
    def _():
        s2_ref[...] += s
        ss2_ref[...] += ss


def _enc3_body(z0_ref, s2_ref, ss2_ref, g2_ref, be2_ref, wrbet_ref, wrget_ref,
               zmix_ref, rbe_ref, rge_ref):
    m = s2_ref[...] / _N
    v = ss2_ref[...] / _N - m * m
    z = (z0_ref[...] - m) * lax.rsqrt(v + _EPS) * g2_ref[...] + be2_ref[...]
    z = jnp.maximum(z, 0.0)
    zmix_ref[...] = z
    rbe_ref[...] = jnp.dot(z, wrbet_ref[...], preferred_element_type=jnp.float32)
    rge_ref[...] = jnp.dot(z, wrget_ref[...], preferred_element_type=jnp.float32)


def _sage_sc_body(zmix, be_src, be_dst, ge_src, ge_dst, sum_out, cnt_out,
                  src0, src1, dst0, dst1, rows0, rows1, cnt1d,
                  sem_i0, sem_i1, sem_g0, sem_g1, ssum):
    c = lax.axis_index("c")
    s = lax.axis_index("s")

    def _zrow(k, carry):
        i = k // 8
        j = k - i * 8
        rows0[i, pl.ds(j * 16, 16)] = jnp.zeros((16,), jnp.float32)
        return carry
    lax.fori_loop(0, _CH * 8, _zrow, 0)

    def _zc(i, carry):
        cnt1d[pl.ds(i * 16, 16)] = jnp.zeros((16,), jnp.float32)
        return carry
    lax.fori_loop(0, _NP // 16, _zc, 0)

    for i in range(_RPT // _CH):
        pltpu.sync_copy(rows0, ssum.at[pl.ds(s * _RPT + i * _CH, _CH)])
    plsc.subcore_barrier()

    ones16 = jnp.ones((16,), jnp.float32)

    def _counts(dstb):
        def _cstep(j, carry):
            d = dstb[pl.ds(j * 16, 16)]
            plsc.addupdate_scatter(cnt1d, [d], ones16)
            return carry
        lax.fori_loop(0, _CH // 16, _cstep, 0)

    def _run_set(src_ref, dst_ref):
        ebase = s * _EPT
        bufs = ((src0, dst0, rows0, sem_i0, sem_g0),
                (src1, dst1, rows1, sem_i1, sem_g1))

        def _issue_idx(k, b):
            sb, db, _, si, _ = bufs[b]
            base = pl.multiple_of(ebase + k * _CH, _CH)
            pltpu.async_copy(src_ref.at[pl.ds(base, _CH)], sb, si)
            pltpu.async_copy(dst_ref.at[pl.ds(base, _CH)], db, si)

        def _wait_idx(b):
            sb, db, _, si, _ = bufs[b]
            pltpu.make_async_copy(src_ref.at[pl.ds(0, _CH)], sb, si).wait()
            pltpu.make_async_copy(dst_ref.at[pl.ds(0, _CH)], db, si).wait()

        def _issue_gather(b):
            sb, _, rb, _, sg = bufs[b]
            pltpu.async_copy(zmix.at[sb], rb, sg)

        def _wait_gather(b):
            sb, _, rb, _, sg = bufs[b]
            pltpu.make_async_copy(zmix.at[sb], rb, sg).wait()

        def _scatter(b):
            _, db, rb, _, _ = bufs[b]
            pltpu.sync_copy(rb, ssum.at[db], add=True)
            _counts(db)

        _issue_idx(0, 0)
        _wait_idx(0)
        _issue_gather(0)
        _issue_idx(1, 1)

        def _step(k, b):
            nb = 1 - b
            _wait_idx(nb)
            _issue_gather(nb)
            _wait_gather(b)
            _scatter(b)
            _issue_idx(k + 2, b)

        def _pair(i, carry):
            k = 2 * i
            _step(k, 0)
            _step(k + 1, 1)
            return carry
        lax.fori_loop(0, (_CHT - 2) // 2, _pair, 0)

        _wait_idx(1)
        _issue_gather(1)
        _wait_gather(0)
        _scatter(0)
        _wait_gather(1)
        _scatter(1)

    @pl.when(c == 0)
    def _():
        _run_set(be_src, be_dst)

    @pl.when(c == 1)
    def _():
        _run_set(ge_src, ge_dst)

    plsc.subcore_barrier()

    obase = pl.multiple_of(c * _NP + s * _RPT, 8)
    pltpu.sync_copy(ssum.at[pl.ds(s * _RPT, _RPT)], sum_out.at[pl.ds(obase, _RPT)])
    w = c * _NT + s
    pltpu.sync_copy(cnt1d, cnt_out.at[pl.ds(w * _NP, _NP)])


def _dec_body(zmix_ref, rbe_ref, rge_ref, sbe_ref, cbe_ref, sge_ref, cge_ref,
              wlbet_ref, blbe_ref, wlget_ref, blge_ref,
              wm1t_ref, bm1_ref, wm2t_ref, bm2_ref,
              wst_ref, bs_ref, wdt_ref, bd_ref, disp_ref,
              wbt_ref, bb_ref, wgt_ref, bg_ref,
              zbe_ref, zge_ref, zun_ref, pxs_ref, pxr_ref, pxd_ref,
              bp_ref, gp_ref):
    cbe = jnp.maximum(jnp.sum(cbe_ref[...], axis=1, keepdims=True), 1.0)
    cge = jnp.maximum(jnp.sum(cge_ref[...], axis=1, keepdims=True), 1.0)
    abe = sbe_ref[...] / cbe
    age = sge_ref[...] / cge
    zbe = jnp.dot(abe, wlbet_ref[...], preferred_element_type=jnp.float32)
    zbe = zbe + blbe_ref[...] + rbe_ref[...]
    zge = jnp.dot(age, wlget_ref[...], preferred_element_type=jnp.float32)
    zge = zge + blge_ref[...] + rge_ref[...]
    zbe_ref[...] = zbe
    zge_ref[...] = zge

    zmix = zmix_ref[...]
    u = (jnp.dot(zmix, wm1t_ref[0:_LD], preferred_element_type=jnp.float32)
         + jnp.dot(zbe, wm1t_ref[_LD:2 * _LD], preferred_element_type=jnp.float32)
         + jnp.dot(zge, wm1t_ref[2 * _LD:3 * _LD], preferred_element_type=jnp.float32)
         + bm1_ref[...])
    u = jnp.maximum(u, 0.0)
    zun = jnp.dot(u, wm2t_ref[...], preferred_element_type=jnp.float32) + bm2_ref[...]
    zun_ref[...] = zun

    ls = (jnp.dot(zbe, wst_ref[0:_LD], preferred_element_type=jnp.float32)
          + jnp.dot(zge, wst_ref[_LD:2 * _LD], preferred_element_type=jnp.float32)
          + jnp.dot(zun, wst_ref[2 * _LD:3 * _LD], preferred_element_type=jnp.float32)
          + bs_ref[...])
    pxs_ref[...] = jnp.exp(ls)
    pxd_ref[...] = (jnp.dot(zbe, wdt_ref[0:_LD], preferred_element_type=jnp.float32)
                    + jnp.dot(zge, wdt_ref[_LD:2 * _LD], preferred_element_type=jnp.float32)
                    + jnp.dot(zun, wdt_ref[2 * _LD:3 * _LD], preferred_element_type=jnp.float32)
                    + bd_ref[...])
    pxr_ref[...] = jnp.exp(disp_ref[...])
    bp_ref[...] = jnp.dot(zbe, wbt_ref[...], preferred_element_type=jnp.float32) + bb_ref[...]
    gp_ref[...] = jnp.dot(zge, wgt_ref[...], preferred_element_type=jnp.float32) + bg_ref[...]


def _sc_aggregate(z_mix, be_ei, ge_ei):
    f32 = jnp.float32

    pad_iota = jnp.arange(_EP - _E, dtype=jnp.int32)
    pad_src = pad_iota % _N
    pad_dst = _N + pad_iota % (_NP - _N)

    def _pad(v, filler):
        return jnp.concatenate([v, filler])

    sc = functools.partial(
        pl.kernel,
        out_type=[jax.ShapeDtypeStruct((2 * _NP, _LD), f32),
                  jax.ShapeDtypeStruct((2 * _NT * _NP,), f32)],
        mesh=plsc.VectorSubcoreMesh(core_axis_name="c", subcore_axis_name="s",
                                    num_cores=2, num_subcores=_NT),
        compiler_params=pltpu.CompilerParams(needs_layout_passes=False),
        scratch_types=[
            pltpu.VMEM((_CH,), jnp.int32),
            pltpu.VMEM((_CH,), jnp.int32),
            pltpu.VMEM((_CH,), jnp.int32),
            pltpu.VMEM((_CH,), jnp.int32),
            pltpu.VMEM((_CH, _LD), f32),
            pltpu.VMEM((_CH, _LD), f32),
            pltpu.VMEM((_NP,), f32),
            pltpu.SemaphoreType.DMA,
            pltpu.SemaphoreType.DMA,
            pltpu.SemaphoreType.DMA,
            pltpu.SemaphoreType.DMA,
            pltpu.VMEM_SHARED((_NP, _LD), f32),
        ],
    )(_sage_sc_body)
    return sc(z_mix, _pad(be_ei[0], pad_src), _pad(be_ei[1], pad_dst),
              _pad(ge_ei[0], pad_src), _pad(ge_ei[1], pad_dst))


def _row_spec(width):
    return pl.BlockSpec((_R, width), lambda i: (i, 0))


def _full_spec(shape):
    nd = len(shape)
    return pl.BlockSpec(shape, lambda i: (0,) * nd)


def kernel(x_c1, x_be_edge_index, x_ge_edge_index, W1, b1, g1, be1, W2, b2, g2, be2, Wl_be, bl_be, Wr_be, Wl_ge, bl_ge, Wr_ge, Wm1, bm1, Wm2, bm2, Ws, bs, Wd, bd, disp, Wb, bb, Wg, bg):
    f32 = jnp.float32
    row = lambda v: v.reshape(1, -1)

    h, s1, ss1 = pl.pallas_call(
        _enc1_body,
        grid=(_G,),
        in_specs=[_row_spec(_D_IN), _full_spec((_D_IN, _H1)), _full_spec((1, _H1))],
        out_specs=[_row_spec(_H1), _full_spec((1, _H1)), _full_spec((1, _H1))],
        out_shape=[jax.ShapeDtypeStruct((_N, _H1), f32),
                   jax.ShapeDtypeStruct((1, _H1), f32),
                   jax.ShapeDtypeStruct((1, _H1), f32)],
    )(x_c1, W1.T, row(b1))

    z0, s2, ss2 = pl.pallas_call(
        _enc2_body,
        grid=(_G,),
        in_specs=[_row_spec(_H1), _full_spec((1, _H1)), _full_spec((1, _H1)),
                  _full_spec((1, _H1)), _full_spec((1, _H1)),
                  _full_spec((_H1, _LD)), _full_spec((1, _LD))],
        out_specs=[_row_spec(_LD), _full_spec((1, _LD)), _full_spec((1, _LD))],
        out_shape=[jax.ShapeDtypeStruct((_N, _LD), f32),
                   jax.ShapeDtypeStruct((1, _LD), f32),
                   jax.ShapeDtypeStruct((1, _LD), f32)],
    )(h, s1, ss1, row(g1), row(be1), W2.T, row(b2))

    z_mix, r_be, r_ge = pl.pallas_call(
        _enc3_body,
        grid=(_G,),
        in_specs=[_row_spec(_LD), _full_spec((1, _LD)), _full_spec((1, _LD)),
                  _full_spec((1, _LD)), _full_spec((1, _LD)),
                  _full_spec((_LD, _LD)), _full_spec((_LD, _LD))],
        out_specs=[_row_spec(_LD), _row_spec(_LD), _row_spec(_LD)],
        out_shape=[jax.ShapeDtypeStruct((_N, _LD), f32),
                   jax.ShapeDtypeStruct((_N, _LD), f32),
                   jax.ShapeDtypeStruct((_N, _LD), f32)],
    )(z0, s2, ss2, row(g2), row(be2), Wr_be.T, Wr_ge.T)

    sums, cntp = _sc_aggregate(z_mix, x_be_edge_index, x_ge_edge_index)
    sum_be, sum_ge = sums[:_N], sums[_NP:_NP + _N]
    cntp = cntp.reshape(2, _NT, _NP)
    cnt_be = cntp[0].T[:_N]
    cnt_ge = cntp[1].T[:_N]

    outs = pl.pallas_call(
        _dec_body,
        grid=(_G,),
        in_specs=[_row_spec(_LD), _row_spec(_LD), _row_spec(_LD),
                  _row_spec(_LD), pl.BlockSpec((_R, 16), lambda i: (i, 0)),
                  _row_spec(_LD), pl.BlockSpec((_R, 16), lambda i: (i, 0)),
                  _full_spec((_LD, _LD)), _full_spec((1, _LD)),
                  _full_spec((_LD, _LD)), _full_spec((1, _LD)),
                  _full_spec((3 * _LD, _LD)), _full_spec((1, _LD)),
                  _full_spec((_LD, _LD)), _full_spec((1, _LD)),
                  _full_spec((3 * _LD, _D_IN)), _full_spec((1, _D_IN)),
                  _full_spec((3 * _LD, _D_IN)), _full_spec((1, _D_IN)),
                  _full_spec((1, _D_IN)),
                  _full_spec((_LD, 8)), _full_spec((1, 8)),
                  _full_spec((_LD, 16)), _full_spec((1, 16))],
        out_specs=[_row_spec(_LD), _row_spec(_LD), _row_spec(_LD),
                   _row_spec(_D_IN), _full_spec((1, _D_IN)), _row_spec(_D_IN),
                   pl.BlockSpec((_R, 8), lambda i: (i, 0)),
                   pl.BlockSpec((_R, 16), lambda i: (i, 0))],
        out_shape=[jax.ShapeDtypeStruct((_N, _LD), f32),
                   jax.ShapeDtypeStruct((_N, _LD), f32),
                   jax.ShapeDtypeStruct((_N, _LD), f32),
                   jax.ShapeDtypeStruct((_N, _D_IN), f32),
                   jax.ShapeDtypeStruct((1, _D_IN), f32),
                   jax.ShapeDtypeStruct((_N, _D_IN), f32),
                   jax.ShapeDtypeStruct((_N, 8), f32),
                   jax.ShapeDtypeStruct((_N, 16), f32)],
    )(z_mix, r_be, r_ge, sum_be, cnt_be, sum_ge, cnt_ge,
      Wl_be.T, row(bl_be), Wl_ge.T, row(bl_ge),
      Wm1.T, row(bm1), Wm2.T, row(bm2),
      Ws.T, row(bs), Wd.T, row(bd), row(disp),
      Wb.T, row(bb), Wg.T, row(bg))
    z_be, z_ge, z_un, px_scale, px_rate2d, px_dropout, batch_pred, group_pred = outs
    return (z_mix, z_be, z_ge, z_un, px_scale, px_rate2d.reshape(_D_IN),
            px_dropout, batch_pred, group_pred)

# --- scband reference (transcript-rebuilt; emitter-appended) ---
"""Pipeline reference for scband-graspunique-gnet-58128087384920 (READ-ONLY COPY).

The authoritative reference and input builder live on the scoring server;
editing this copy changes nothing except your own understanding.
"""

import jax, jax.numpy as jnp
import numpy as np

N = 10000
E = 320000
D_IN = 512
H1 = 256
LD = 128
NB = 8
NG = 16


def setup_inputs(seed: int = 0) -> dict:
    key = jax.random.key(seed)
    ks = jax.random.split(key, 32)
    s = 0.02
    inp = {}
    inp['x_c1'] = jax.random.normal(ks[0], (N, D_IN), dtype=jnp.float32)
    inp['x_be_edge_index'] = jax.random.randint(ks[1], (2, E), 0, N, dtype=jnp.int32)
    inp['x_ge_edge_index'] = jax.random.randint(ks[2], (2, E), 0, N, dtype=jnp.int32)
    # encoder Stacklayers: Linear(512->256)+BN+ReLU, Linear(256->128)+BN+ReLU (dropout = identity)
    inp['W1'] = jax.random.normal(ks[3], (H1, D_IN), dtype=jnp.float32) * s
    inp['b1'] = jnp.zeros((H1,), jnp.float32)
    inp['g1'] = jnp.ones((H1,), jnp.float32)
    inp['be1'] = jnp.zeros((H1,), jnp.float32)
    inp['W2'] = jax.random.normal(ks[4], (LD, H1), dtype=jnp.float32) * s
    inp['b2'] = jnp.zeros((LD,), jnp.float32)
    inp['g2'] = jnp.ones((LD,), jnp.float32)
    inp['be2'] = jnp.zeros((LD,), jnp.float32)
    # SAGEConv be: lin_l (with bias) on mean-aggregated neighbors, lin_r (no bias) on root
    inp['Wl_be'] = jax.random.normal(ks[5], (LD, LD), dtype=jnp.float32) * s
    inp['bl_be'] = jnp.zeros((LD,), jnp.float32)
    inp['Wr_be'] = jax.random.normal(ks[6], (LD, LD), dtype=jnp.float32) * s
    inp['Wl_ge'] = jax.random.normal(ks[7], (LD, LD), dtype=jnp.float32) * s
    inp['bl_ge'] = jnp.zeros((LD,), jnp.float32)
    inp['Wr_ge'] = jax.random.normal(ks[8], (LD, LD), dtype=jnp.float32) * s
    # un_mlp: Linear(384->128)+ReLU+Linear(128->128)
    inp['Wm1'] = jax.random.normal(ks[9], (LD, 3 * LD), dtype=jnp.float32) * s
    inp['bm1'] = jnp.zeros((LD,), jnp.float32)
    inp['Wm2'] = jax.random.normal(ks[10], (LD, LD), dtype=jnp.float32) * s
    inp['bm2'] = jnp.zeros((LD,), jnp.float32)
    # zinb heads
    inp['Ws'] = jax.random.normal(ks[11], (D_IN, 3 * LD), dtype=jnp.float32) * s
    inp['bs'] = jnp.zeros((D_IN,), jnp.float32)
    inp['Wd'] = jax.random.normal(ks[12], (D_IN, 3 * LD), dtype=jnp.float32) * s
    inp['bd'] = jnp.zeros((D_IN,), jnp.float32)
    inp['disp'] = jax.random.normal(ks[13], (D_IN,), dtype=jnp.float32) * s
    # discriminators
    inp['Wb'] = jax.random.normal(ks[14], (NB, LD), dtype=jnp.float32) * s
    inp['bb'] = jnp.zeros((NB,), jnp.float32)
    inp['Wg'] = jax.random.normal(ks[15], (NG, LD), dtype=jnp.float32) * s
    inp['bg'] = jnp.zeros((NG,), jnp.float32)
    return inp


def _bn(h, g, b):
    m = h.mean(axis=0)
    v = h.var(axis=0)
    return (h - m) / jnp.sqrt(v + 1e-5) * g + b


def _sage(x, ei, Wl, bl, Wr):
    src = ei[0]
    dst = ei[1]
    msgs = jnp.take(x, src, axis=0)
    summed = jax.ops.segment_sum(msgs, dst, num_segments=N)
    cnt = jax.ops.segment_sum(jnp.ones((ei.shape[1],), jnp.float32), dst, num_segments=N)
    aggr = summed / jnp.maximum(cnt, 1.0)[:, None]
    return aggr @ Wl.T + bl + x @ Wr.T


def reference(x_c1, x_be_edge_index, x_ge_edge_index, W1, b1, g1, be1, W2, b2, g2, be2, Wl_be, bl_be, Wr_be, Wl_ge, bl_ge, Wr_ge, Wm1, bm1, Wm2, bm2, Ws, bs, Wd, bd, disp, Wb, bb, Wg, bg):
    h = jax.nn.relu(_bn(x_c1 @ W1.T + b1, g1, be1))
    z_mix = jax.nn.relu(_bn(h @ W2.T + b2, g2, be2))
    z_be = _sage(z_mix, x_be_edge_index, Wl_be, bl_be, Wr_be)
    z_ge = _sage(z_mix, x_ge_edge_index, Wl_ge, bl_ge, Wr_ge)
    cat1 = jnp.concatenate((z_mix, z_be, z_ge), axis=1)
    z_un = jax.nn.relu(cat1 @ Wm1.T + bm1) @ Wm2.T + bm2
    h2 = jnp.concatenate((z_be, z_ge, z_un), axis=1)
    px_scale = jnp.exp(h2 @ Ws.T + bs)
    px_dropout = h2 @ Wd.T + bd
    px_rate = jnp.exp(disp)
    batch_pred = z_be @ Wb.T + bb
    group_pred = z_ge @ Wg.T + bg
    return (z_mix, z_be, z_ge, z_un, px_scale, px_rate, px_dropout, batch_pred, group_pred)

if __name__ == "__main__":
    import jax
    _d = setup_inputs()
    print(jax.jit(kernel)(*tuple(_d.values())))

</pallas_src>

<mosaic_0001>
#map = affine_map<(d0, d1) -> (0, 0)>
#map1 = affine_map<(d0, d1) -> (0)>
module attributes {stable_mosaic.version = 14 : i64} {
  func.func @_sage_sc_body(%arg0: i32, %arg1: i32, %arg2: memref<10000x128xf32, #tpu.memory_space<hbm>>, %arg3: memref<327680xi32, #tpu.memory_space<hbm>>, %arg4: memref<327680xi32, #tpu.memory_space<hbm>>, %arg5: memref<327680xi32, #tpu.memory_space<hbm>>, %arg6: memref<327680xi32, #tpu.memory_space<hbm>>, %arg7: memref<20480x128xf32, #tpu.memory_space<hbm>>, %arg8: memref<327680xf32, #tpu.memory_space<hbm>>, %arg9: memref<128xi32, #tpu.memory_space<vmem>>, %arg10: memref<128xi32, #tpu.memory_space<vmem>>, %arg11: memref<128xi32, #tpu.memory_space<vmem>>, %arg12: memref<128xi32, #tpu.memory_space<vmem>>, %arg13: memref<128x128xf32, #tpu.memory_space<vmem>>, %arg14: memref<128x128xf32, #tpu.memory_space<vmem>>, %arg15: memref<10240xf32, #tpu.memory_space<vmem>>, %arg16: memref<!tpu.dma_semaphore, #tpu.memory_space<semaphore_mem>>, %arg17: memref<!tpu.dma_semaphore, #tpu.memory_space<semaphore_mem>>, %arg18: memref<!tpu.dma_semaphore, #tpu.memory_space<semaphore_mem>>, %arg19: memref<!tpu.dma_semaphore, #tpu.memory_space<semaphore_mem>>, %arg20: memref<10240x128xf32, #tpu.memory_space<vmem_shared>>) attributes {dimension_semantics = [#tpu.dimension_semantics<core_parallel>, #tpu.dimension_semantics<subcore_parallel>], iteration_bounds = array<i64: 2, 16>, scalar_prefetch = 0 : i64, scratch_operands = 12 : i64, tpu.core_type = #tpu.core_type<sc_vector_subcore>, window_params = [{transform_indices = #map}, {transform_indices = #map1}, {transform_indices = #map1}, {transform_indices = #map1}, {transform_indices = #map1}, {transform_indices = #map}, {transform_indices = #map1}]} {
    %scan3A = arith.constant 0 : i32
    %scan3A_0 = arith.constant 0 : i32
    %scan3A_1 = arith.constant 1024 : i32
    %scan3A_2 = arith.addi %scan3A_0, %scan3A_1 : i32
    %scan3A_3 = arith.constant 1 : i32
    scf.for %scan3A_50 = %scan3A_0 to %scan3A_2 step %scan3A_3  : i32 {
      %jit3A = arith.constant 8 : i32
      %div3A = arith.divsi %scan3A_50, %jit3A : i32
      %sign3A = arith.constant 0 : i32
      %sign3A_51 = arith.cmpi sgt, %scan3A_50, %sign3A : i32
      %sign3A_52 = arith.extui %sign3A_51 : i1 to i32
      %sign3A_53 = arith.constant 0 : i32
      %sign3A_54 = arith.cmpi slt, %scan3A_50, %sign3A_53 : i32
      %sign3A_55 = arith.extui %sign3A_54 : i1 to i32
      %sign3A_56 = arith.subi %sign3A_52, %sign3A_55 : i32
      %sign3A_57 = arith.constant 0 : i32
      %sign3A_58 = arith.cmpi sgt, %jit3A, %sign3A_57 : i32
      %sign3A_59 = arith.extui %sign3A_58 : i1 to i32
      %sign3A_60 = arith.constant 0 : i32
      %sign3A_61 = arith.cmpi slt, %jit3A, %sign3A_60 : i32
      %sign3A_62 = arith.extui %sign3A_61 : i1 to i32
      %sign3A_63 = arith.subi %sign3A_59, %sign3A_62 : i32
      %ne3A = arith.cmpi ne, %sign3A_56, %sign3A_63 : i32
      %rem3A = arith.remsi %scan3A_50, %jit3A : i32
      %ne3A_64 = arith.constant 0 : i32
      %ne3A_65 = arith.cmpi ne, %rem3A, %ne3A_64 : i32
      %and3A = arith.andi %ne3A, %ne3A_65 : i1
      %sub3A = arith.constant 1 : i32
      %sub3A_66 = arith.subi %div3A, %sub3A : i32
      %select_n3A = arith.select %and3A, %sub3A_66, %div3A : i32
      %mul3A_67 = arith.constant 8 : i32
      %mul3A_68 = arith.muli %select_n3A, %mul3A_67 : i32
      %sub3A_69 = arith.subi %scan3A_50, %mul3A_68 : i32
      %broadcast_in_dim3A_70 = arith.constant 0.000000e+00 : f32
      %broadcast_in_dim3A_71 = vector.broadcast %broadcast_in_dim3A_70 : f32 to vector<16xf32>
      %mul3A_72 = arith.constant 16 : i32
      %mul3A_73 = arith.muli %sub3A_69, %mul3A_72 : i32
      %swap3A = arith.index_cast %select_n3A : i32 to index
      %swap3A_74 = arith.index_cast %mul3A_73 : i32 to index
      %swap3A_75 = tpu.vector_load %arg13[%swap3A, %swap3A_74] {strides = array<i32>} : memref<128x128xf32, #tpu.memory_space<vmem>>, vector<16xf32>,
      tpu.vector_store %arg13[%swap3A, %swap3A_74], %broadcast_in_dim3A_71 {strides = array<i32>} : memref<128x128xf32, #tpu.memory_space<vmem>>, vector<16xf32>,
    }
    %scan3A_4 = arith.constant 1024 : i32
    %scan3A_5 = arith.constant 0 : i32
    %scan3A_6 = arith.constant 0 : i32
    %scan3A_7 = arith.constant 640 : i32
    %scan3A_8 = arith.addi %scan3A_6, %scan3A_7 : i32
    %scan3A_9 = arith.constant 1 : i32
    scf.for %scan3A_50 = %scan3A_6 to %scan3A_8 step %scan3A_9  : i32 {
      %broadcast_in_dim3A_51 = arith.constant 0.000000e+00 : f32
      %broadcast_in_dim3A_52 = vector.broadcast %broadcast_in_dim3A_51 : f32 to vector<16xf32>
      %mul3A_53 = arith.constant 16 : i32
      %mul3A_54 = arith.muli %scan3A_50, %mul3A_53 : i32
      %swap3A = arith.index_cast %mul3A_54 : i32 to index
      %swap3A_55 = tpu.vector_load %arg15[%swap3A] {strides = array<i32>} : memref<10240xf32, #tpu.memory_space<vmem>>, vector<16xf32>,
      tpu.vector_store %arg15[%swap3A], %broadcast_in_dim3A_52 {strides = array<i32>} : memref<10240xf32, #tpu.memory_space<vmem>>, vector<16xf32>,
    }
    %scan3A_10 = arith.constant 640 : i32
    %mul3A = arith.constant 640 : i32
    %mul3A_11 = arith.muli %arg1, %mul3A : i32
    %add3A = arith.constant 0 : i32
    %add3A_12 = arith.addi %mul3A_11, %add3A : i32
    "tpu.region"() ({
      %run_scoped3A = tpu.sem_alloc : memref<!tpu.dma_semaphore, #tpu.memory_space<semaphore_mem>>
      %dma_start3A = arith.constant 0 : i32
      %dma_start3A_50 = tpu.memref_slice %arg20[%add3A_12, %dma_start3A] : memref<10240x128xf32, #tpu.memory_space<vmem_shared>> -> memref<128x128xf32, #tpu.memory_space<vmem_shared>>
      %dma_start3A_51 = arith.constant 0 : i32
      %dma_start3A_52 = tpu.memref_slice %arg20[%add3A_12, %dma_start3A_51] : memref<10240x128xf32, #tpu.memory_space<vmem_shared>> -> memref<128x128xf32, #tpu.memory_space<vmem_shared>>
      tpu.enqueue_dma source(%arg13 : memref<128x128xf32, #tpu.memory_space<vmem>>) target(%dma_start3A_52 : memref<128x128xf32, #tpu.memory_space<vmem_shared>>) target_semaphore(%run_scoped3A : memref<!tpu.dma_semaphore, #tpu.memory_space<semaphore_mem>>)
      %dma_wait3A = arith.constant 0 : i32
      %dma_wait3A_53 = tpu.memref_slice %arg20[%add3A_12, %dma_wait3A] : memref<10240x128xf32, #tpu.memory_space<vmem_shared>> -> memref<128x128xf32, #tpu.memory_space<vmem_shared>>
      %dma_wait3A_54 = arith.constant 0 : i32
      %dma_wait3A_55 = tpu.memref_slice %arg20[%add3A_12, %dma_wait3A_54] : memref<10240x128xf32, #tpu.memory_space<vmem_shared>> -> memref<128x128xf32, #tpu.memory_space<vmem_shared>>
      tpu.wait_dma2 semaphore(%run_scoped3A : memref<!tpu.dma_semaphore, #tpu.memory_space<semaphore_mem>>) src(%arg13 : memref<128x128xf32, #tpu.memory_space<vmem>>) dst(%dma_wait3A_55 : memref<128x128xf32, #tpu.memory_space<vmem_shared>>)
      tpu.yield
    }) : () -> ()
    %mul3A_13 = arith.constant 640 : i32
    %mul3A_14 = arith.muli %arg1, %mul3A_13 : i32
    %add3A_15 = arith.constant 128 : i32
    %add3A_16 = arith.addi %mul3A_14, %add3A_15 : i32
    "tpu.region"() ({
      %run_scoped3A = tpu.sem_alloc : memref<!tpu.dma_semaphore, #tpu.memory_space<semaphore_mem>>
      %dma_start3A = arith.constant 0 : i32
      %dma_start3A_50 = tpu.memref_slice %arg20[%add3A_16, %dma_start3A] : memref<10240x128xf32, #tpu.memory_space<vmem_shared>> -> memref<128x128xf32, #tpu.memory_space<vmem_shared>>
      %dma_start3A_51 = arith.constant 0 : i32
      %dma_start3A_52 = tpu.memref_slice %arg20[%add3A_16, %dma_start3A_51] : memref<10240x128xf32, #tpu.memory_space<vmem_shared>> -> memref<128x128xf32, #tpu.memory_space<vmem_shared>>
      tpu.enqueue_dma source(%arg13 : memref<128x128xf32, #tpu.memory_space<vmem>>) target(%dma_start3A_52 : memref<128x128xf32, #tpu.memory_space<vmem_shared>>) target_semaphore(%run_scoped3A : memref<!tpu.dma_semaphore, #tpu.memory_space<semaphore_mem>>)
      %dma_wait3A = arith.constant 0 : i32
      %dma_wait3A_53 = tpu.memref_slice %arg20[%add3A_16, %dma_wait3A] : memref<10240x128xf32, #tpu.memory_space<vmem_shared>> -> memref<128x128xf32, #tpu.memory_space<vmem_shared>>
      %dma_wait3A_54 = arith.constant 0 : i32
      %dma_wait3A_55 = tpu.memref_slice %arg20[%add3A_16, %dma_wait3A_54] : memref<10240x128xf32, #tpu.memory_space<vmem_shared>> -> memref<128x128xf32, #tpu.memory_space<vmem_shared>>
      tpu.wait_dma2 semaphore(%run_scoped3A : memref<!tpu.dma_semaphore, #tpu.memory_space<semaphore_mem>>) src(%arg13 : memref<128x128xf32, #tpu.memory_space<vmem>>) dst(%dma_wait3A_55 : memref<128x128xf32, #tpu.memory_space<vmem_shared>>)
      tpu.yield
    }) : () -> ()
    %mul3A_17 = arith.constant 640 : i32
    %mul3A_18 = arith.muli %arg1, %mul3A_17 : i32
    %add3A_19 = arith.constant 256 : i32
    %add3A_20 = arith.addi %mul3A_18, %add3A_19 : i32
    "tpu.region"() ({
      %run_scoped3A = tpu.sem_alloc : memref<!tpu.dma_semaphore, #tpu.memory_space<semaphore_mem>>
      %dma_start3A = arith.constant 0 : i32
      %dma_start3A_50 = tpu.memref_slice %arg20[%add3A_20, %dma_start3A] : memref<10240x128xf32, #tpu.memory_space<vmem_shared>> -> memref<128x128xf32, #tpu.memory_space<vmem_shared>>
      %dma_start3A_51 = arith.constant 0 : i32
      %dma_start3A_52 = tpu.memref_slice %arg20[%add3A_20, %dma_start3A_51] : memref<10240x128xf32, #tpu.memory_space<vmem_shared>> -> memref<128x128xf32, #tpu.memory_space<vmem_shared>>
      tpu.enqueue_dma source(%arg13 : memref<128x128xf32, #tpu.memory_space<vmem>>) target(%dma_start3A_52 : memref<128x128xf32, #tpu.memory_space<vmem_shared>>) target_semaphore(%run_scoped3A : memref<!tpu.dma_semaphore, #tpu.memory_space<semaphore_mem>>)
      %dma_wait3A = arith.constant 0 : i32
      %dma_wait3A_53 = tpu.memref_slice %arg20[%add3A_20, %dma_wait3A] : memref<10240x128xf32, #tpu.memory_space<vmem_shared>> -> memref<128x128xf32, #tpu.memory_space<vmem_shared>>
      %dma_wait3A_54 = arith.constant 0 : i32
      %dma_wait3A_55 = tpu.memref_slice %arg20[%add3A_20, %dma_wait3A_54] : memref<10240x128xf32, #tpu.memory_space<vmem_shared>> -> memref<128x128xf32, #tpu.memory_space<vmem_shared>>
      tpu.wait_dma2 semaphore(%run_scoped3A : memref<!tpu.dma_semaphore, #tpu.memory_space<semaphore_mem>>) src(%arg13 : memref<128x128xf32, #tpu.memory_space<vmem>>) dst(%dma_wait3A_55 : memref<128x128xf32, #tpu.memory_space<vmem_shared>>)
      tpu.yield
    }) : () -> ()
    %mul3A_21 = arith.constant 640 : i32
    %mul3A_22 = arith.muli %arg1, %mul3A_21 : i32
    %add3A_23 = arith.constant 384 : i32
    %add3A_24 = arith.addi %mul3A_22, %add3A_23 : i32
    "tpu.region"() ({
      %run_scoped3A = tpu.sem_alloc : memref<!tpu.dma_semaphore, #tpu.memory_space<semaphore_mem>>
      %dma_start3A = arith.constant 0 : i32
      %dma_start3A_50 = tpu.memref_slice %arg20[%add3A_24, %dma_start3A] : memref<10240x128xf32, #tpu.memory_space<vmem_shared>> -> memref<128x128xf32, #tpu.memory_space<vmem_shared>>
      %dma_start3A_51 = arith.constant 0 : i32
      %dma_start3A_52 = tpu.memref_slice %arg20[%add3A_24, %dma_start3A_51] : memref<10240x128xf32, #tpu.memory_space<vmem_shared>> -> memref<128x128xf32, #tpu.memory_space<vmem_shared>>
      tpu.enqueue_dma source(%arg13 : memref<128x128xf32, #tpu.memory_space<vmem>>) target(%dma_start3A_52 : memref<128x128xf32, #tpu.memory_space<vmem_shared>>) target_semaphore(%run_scoped3A : memref<!tpu.dma_semaphore, #tpu.memory_space<semaphore_mem>>)
      %dma_wait3A = arith.constant 0 : i32
      %dma_wait3A_53 = tpu.memref_slice %arg20[%add3A_24, %dma_wait3A] : memref<10240x128xf32, #tpu.memory_space<vmem_shared>> -> memref<128x128xf32, #tpu.memory_space<vmem_shared>>
      %dma_wait3A_54 = arith.constant 0 : i32
      %dma_wait3A_55 = tpu.memref_slice %arg20[%add3A_24, %dma_wait3A_54] : memref<10240x128xf32, #tpu.memory_space<vmem_shared>> -> memref<128x128xf32, #tpu.memory_space<vmem_shared>>
      tpu.wait_dma2 semaphore(%run_scoped3A : memref<!tpu.dma_semaphore, #tpu.memory_space<semaphore_mem>>) src(%arg13 : memref<128x128xf32, #tpu.memory_space<vmem>>) dst(%dma_wait3A_55 : memref<128x128xf32, #tpu.memory_space<vmem_shared>>)
      tpu.yield
    }) : () -> ()
    %mul3A_25 = arith.constant 640 : i32
    %mul3A_26 = arith.muli %arg1, %mul3A_25 : i32
    %add3A_27 = arith.constant 512 : i32
    %add3A_28 = arith.addi %mul3A_26, %add3A_27 : i32
    "tpu.region"() ({
      %run_scoped3A = tpu.sem_alloc : memref<!tpu.dma_semaphore, #tpu.memory_space<semaphore_mem>>
      %dma_start3A = arith.constant 0 : i32
      %dma_start3A_50 = tpu.memref_slice %arg20[%add3A_28, %dma_start3A] : memref<10240x128xf32, #tpu.memory_space<vmem_shared>> -> memref<128x128xf32, #tpu.memory_space<vmem_shared>>
      %dma_start3A_51 = arith.constant 0 : i32
      %dma_start3A_52 = tpu.memref_slice %arg20[%add3A_28, %dma_start3A_51] : memref<10240x128xf32, #tpu.memory_space<vmem_shared>> -> memref<128x128xf32, #tpu.memory_space<vmem_shared>>
      tpu.enqueue_dma source(%arg13 : memref<128x128xf32, #tpu.memory_space<vmem>>) target(%dma_start3A_52 : memref<128x128xf32, #tpu.memory_space<vmem_shared>>) target_semaphore(%run_scoped3A : memref<!tpu.dma_semaphore, #tpu.memory_space<semaphore_mem>>)
      %dma_wait3A = arith.constant 0 : i32
      %dma_wait3A_53 = tpu.memref_slice %arg20[%add3A_28, %dma_wait3A] : memref<10240x128xf32, #tpu.memory_space<vmem_shared>> -> memref<128x128xf32, #tpu.memory_space<vmem_shared>>
      %dma_wait3A_54 = arith.constant 0 : i32
      %dma_wait3A_55 = tpu.memref_slice %arg20[%add3A_28, %dma_wait3A_54] : memref<10240x128xf32, #tpu.memory_space<vmem_shared>> -> memref<128x128xf32, #tpu.memory_space<vmem_shared>>
      tpu.wait_dma2 semaphore(%run_scoped3A : memref<!tpu.dma_semaphore, #tpu.memory_space<semaphore_mem>>) src(%arg13 : memref<128x128xf32, #tpu.memory_space<vmem>>) dst(%dma_wait3A_55 : memref<128x128xf32, #tpu.memory_space<vmem_shared>>)
      tpu.yield
    }) : () -> ()
    %barrier3A = arith.constant 0 : index
    tpu.barrier barrier_id(%barrier3A)
    %broadcast_in_dim3A = arith.constant 1.000000e+00 : f32
    %broadcast_in_dim3A_29 = vector.broadcast %broadcast_in_dim3A : f32 to vector<16xf32>
    %eq3A = arith.constant 0 : i32
    %eq3A_30 = arith.cmpi eq, %arg0, %eq3A : i32
    %convert_element_type3A = arith.extui %eq3A_30 : i1 to i32
    %cond3A = arith.constant 0 : i32
    %cond3A_31 = arith.cmpi ne, %convert_element_type3A, %cond3A : i32
    scf.if %cond3A_31 {
      %mul3A_50 = arith.constant 20480 : i32
      %mul3A_51 = arith.muli %arg1, %mul3A_50 : i32
      %add3A_52 = arith.constant 0 : i32
      %add3A_53 = arith.addi %mul3A_51, %add3A_52 : i32
      %multiple_of3A_54 = tpu.assume_multiple %add3A_53, 128 : i32
      %dma_start3A = tpu.memref_slice %arg3[%multiple_of3A_54] : memref<327680xi32, #tpu.memory_space<hbm>> -> memref<128xi32, #tpu.memory_space<hbm>>
      %dma_start3A_55 = tpu.memref_slice %arg3[%multiple_of3A_54] : memref<327680xi32, #tpu.memory_space<hbm>> -> memref<128xi32, #tpu.memory_space<hbm>>
      tpu.enqueue_dma source(%dma_start3A_55 : memref<128xi32, #tpu.memory_space<hbm>>) target(%arg9 : memref<128xi32, #tpu.memory_space<vmem>>) target_semaphore(%arg16 : memref<!tpu.dma_semaphore, #tpu.memory_space<semaphore_mem>>)
      %dma_start3A_56 = tpu.memref_slice %arg4[%multiple_of3A_54] : memref<327680xi32, #tpu.memory_space<hbm>> -> memref<128xi32, #tpu.memory_space<hbm>>
      %dma_start3A_57 = tpu.memref_slice %arg4[%multiple_of3A_54] : memref<327680xi32, #tpu.memory_space<hbm>> -> memref<128xi32, #tpu.memory_space<hbm>>
      tpu.enqueue_dma source(%dma_start3A_57 : memref<128xi32, #tpu.memory_space<hbm>>) target(%arg11 : memref<128xi32, #tpu.memory_space<vmem>>) target_semaphore(%arg16 : memref<!tpu.dma_semaphore, #tpu.memory_space<semaphore_mem>>)
      %dma_wait3A = arith.constant 0 : i32
      %dma_wait3A_58 = tpu.memref_slice %arg3[%dma_wait3A] : memref<327680xi32, #tpu.memory_space<hbm>> -> memref<128xi32, #tpu.memory_space<hbm>>
      %dma_wait3A_59 = arith.constant 0 : i32
      %dma_wait3A_60 = tpu.memref_slice %arg3[%dma_wait3A_59] : memref<327680xi32, #tpu.memory_space<hbm>> -> memref<128xi32, #tpu.memory_space<hbm>>
      tpu.wait_dma2 semaphore(%arg16 : memref<!tpu.dma_semaphore, #tpu.memory_space<semaphore_mem>>) src(%dma_wait3A_60 : memref<128xi32, #tpu.memory_space<hbm>>) dst(%arg9 : memref<128xi32, #tpu.memory_space<vmem>>)
      %dma_wait3A_61 = arith.constant 0 : i32
      %dma_wait3A_62 = tpu.memref_slice %arg4[%dma_wait3A_61] : memref<327680xi32, #tpu.memory_space<hbm>> -> memref<128xi32, #tpu.memory_space<hbm>>
      %dma_wait3A_63 = arith.constant 0 : i32
      %dma_wait3A_64 = tpu.memref_slice %arg4[%dma_wait3A_63] : memref<327680xi32, #tpu.memory_space<hbm>> -> memref<128xi32, #tpu.memory_space<hbm>>
      tpu.wait_dma2 semaphore(%arg16 : memref<!tpu.dma_semaphore, #tpu.memory_space<semaphore_mem>>) src(%dma_wait3A_64 : memref<128xi32, #tpu.memory_space<hbm>>) dst(%arg11 : memref<128xi32, #tpu.memory_space<vmem>>)
      %dma_start3A_65 = arith.constant 0 : i32
      %dma_start3A_66 = arith.constant 0 : i32
      %dma_start3A_67 = tpu.memref_slice %arg2[%dma_start3A_65, %dma_start3A_66] : memref<10000x128xf32, #tpu.memory_space<hbm>> -> memref<10000x128xf32, #tpu.memory_space<hbm>>
      tpu.enqueue_indirect_dma source(%dma_start3A_67 : memref<10000x128xf32, #tpu.memory_space<hbm>>) target(%arg13 : memref<128x128xf32, #tpu.memory_space<vmem>>) offsets(%arg9 : memref<128xi32, #tpu.memory_space<vmem>>) semaphore(%arg18 : memref<!tpu.dma_semaphore, #tpu.memory_space<semaphore_mem>>)
      %add3A_68 = arith.constant 128 : i32
      %add3A_69 = arith.addi %mul3A_51, %add3A_68 : i32
      %multiple_of3A_70 = tpu.assume_multiple %add3A_69, 128 : i32
      %dma_start3A_71 = tpu.memref_slice %arg3[%multiple_of3A_70] : memref<327680xi32, #tpu.memory_space<hbm>> -> memref<128xi32, #tpu.memory_space<hbm>>
      %dma_start3A_72 = tpu.memref_slice %arg3[%multiple_of3A_70] : memref<327680xi32, #tpu.memory_space<hbm>> -> memref<128xi32, #tpu.memory_space<hbm>>
      tpu.enqueue_dma source(%dma_start3A_72 : memref<128xi32, #tpu.memory_space<hbm>>) target(%arg10 : memref<128xi32, #tpu.memory_space<vmem>>) target_semaphore(%arg17 : memref<!tpu.dma_semaphore, #tpu.memory_space<semaphore_mem>>)
      %dma_start3A_73 = tpu.memref_slice %arg4[%multiple_of3A_70] : memref<327680xi32, #tpu.memory_space<hbm>> -> memref<128xi32, #tpu.memory_space<hbm>>
      %dma_start3A_74 = tpu.memref_slice %arg4[%multiple_of3A_70] : memref<327680xi32, #tpu.memory_space<hbm>> -> memref<128xi32, #tpu.memory_space<hbm>>
      tpu.enqueue_dma source(%dma_start3A_74 : memref<128xi32, #tpu.memory_space<hbm>>) target(%arg12 : memref<128xi32, #tpu.memory_space<vmem>>) target_semaphore(%arg17 : memref<!tpu.dma_semaphore, #tpu.memory_space<semaphore_mem>>)
      %scan3A_75 = arith.constant 0 : i32
      %scan3A_76 = arith.constant 0 : i32
      %scan3A_77 = arith.constant 79 : i32
      %scan3A_78 = arith.addi %scan3A_76, %scan3A_77 : i32
      %scan3A_79 = arith.constant 1 : i32
      scf.for %scan3A_110 = %scan3A_76 to %scan3A_78 step %scan3A_79  : i32 {
        %mul3A_111 = arith.constant 2 : i32
        %mul3A_112 = arith.muli %mul3A_111, %scan3A_110 : i32
        %dma_wait3A_113 = arith.constant 0 : i32
        %dma_wait3A_114 = tpu.memref_slice %arg3[%dma_wait3A_113] : memref<327680xi32, #tpu.memory_space<hbm>> -> memref<128xi32, #tpu.memory_space<hbm>>
        %dma_wait3A_115 = arith.constant 0 : i32
        %dma_wait3A_116 = tpu.memref_slice %arg3[%dma_wait3A_115] : memref<327680xi32, #tpu.memory_space<hbm>> -> memref<128xi32, #tpu.memory_space<hbm>>
        tpu.wait_dma2 semaphore(%arg17 : memref<!tpu.dma_semaphore, #tpu.memory_space<semaphore_mem>>) src(%dma_wait3A_116 : memref<128xi32, #tpu.memory_space<hbm>>) dst(%arg10 : memref<128xi32, #tpu.memory_space<vmem>>)
        %dma_wait3A_117 = arith.constant 0 : i32
        %dma_wait3A_118 = tpu.memref_slice %arg4[%dma_wait3A_117] : memref<327680xi32, #tpu.memory_space<hbm>> -> memref<128xi32, #tpu.memory_space<hbm>>
        %dma_wait3A_119 = arith.constant 0 : i32
        %dma_wait3A_120 = tpu.memref_slice %arg4[%dma_wait3A_119] : memref<327680xi32, #tpu.memory_space<hbm>> -> memref<128xi32, #tpu.memory_space<hbm>>
        tpu.wait_dma2 semaphore(%arg17 : memref<!tpu.dma_semaphore, #tpu.memory_space<semaphore_mem>>) src(%dma_wait3A_120 : memref<128xi32, #tpu.memory_space<hbm>>) dst(%arg12 : memref<128xi32, #tpu.memory_space<vmem>>)
        %dma_start3A_121 = arith.constant 0 : i32
        %dma_start3A_122 = arith.constant 0 : i32
        %dma_start3A_123 = tpu.memref_slice %arg2[%dma_start3A_121, %dma_start3A_122] : memref<10000x128xf32, #tpu.memory_space<hbm>> -> memref<10000x128xf32, #tpu.memory_space<hbm>>
        tpu.enqueue_indirect_dma source(%dma_start3A_123 : memref<10000x128xf32, #tpu.memory_space<hbm>>) target(%arg14 : memref<128x128xf32, #tpu.memory_space<vmem>>) offsets(%arg10 : memref<128xi32, #tpu.memory_space<vmem>>) semaphore(%arg19 : memref<!tpu.dma_semaphore, #tpu.memory_space<semaphore_mem>>)
        %dma_wait3A_124 = arith.constant 0 : i32
        %dma_wait3A_125 = arith.constant 0 : i32
        %dma_wait3A_126 = tpu.memref_slice %arg2[%dma_wait3A_124, %dma_wait3A_125] : memref<10000x128xf32, #tpu.memory_space<hbm>> -> memref<10000x128xf32, #tpu.memory_space<hbm>>
        tpu.wait_indirect_dma semaphore(%arg18 : memref<!tpu.dma_semaphore, #tpu.memory_space<semaphore_mem>>) src(%dma_wait3A_126 : memref<10000x128xf32, #tpu.memory_space<hbm>>) dst(%arg13 : memref<128x128xf32, #tpu.memory_space<vmem>>)
        "tpu.region"() ({
          %run_scoped3A = tpu.sem_alloc : memref<!tpu.dma_semaphore, #tpu.memory_space<semaphore_mem>>
          %dma_start3A_175 = arith.constant 0 : i32
          %dma_start3A_176 = arith.constant 0 : i32
          %dma_start3A_177 = tpu.memref_slice %arg20[%dma_start3A_175, %dma_start3A_176] : memref<10240x128xf32, #tpu.memory_space<vmem_shared>> -> memref<10240x128xf32, #tpu.memory_space<vmem_shared>>
          tpu.enqueue_indirect_dma source(%arg13 : memref<128x128xf32, #tpu.memory_space<vmem>>) target(%dma_start3A_177 : memref<10240x128xf32, #tpu.memory_space<vmem_shared>>) offsets(%arg11 : memref<128xi32, #tpu.memory_space<vmem>>) semaphore(%run_scoped3A : memref<!tpu.dma_semaphore, #tpu.memory_space<semaphore_mem>>) {add = true}
          %dma_wait3A_178 = arith.constant 0 : i32
          %dma_wait3A_179 = arith.constant 0 : i32
          %dma_wait3A_180 = tpu.memref_slice %arg20[%dma_wait3A_178, %dma_wait3A_179] : memref<10240x128xf32, #tpu.memory_space<vmem_shared>> -> memref<10240x128xf32, #tpu.memory_space<vmem_shared>>
          tpu.wait_indirect_dma semaphore(%run_scoped3A : memref<!tpu.dma_semaphore, #tpu.memory_space<semaphore_mem>>) src(%arg13 : memref<128x128xf32, #tpu.memory_space<vmem>>) dst(%dma_wait3A_180 : memref<10240x128xf32, #tpu.memory_space<vmem_shared>>)
          tpu.yield
        }) : () -> ()
        %scan3A_127 = arith.constant 0 : i32
        %scan3A_128 = arith.constant 0 : i32
        %scan3A_129 = arith.constant 8 : i32
        %scan3A_130 = arith.addi %scan3A_128, %scan3A_129 : i32
        %scan3A_131 = arith.constant 1 : i32
        scf.for %scan3A_175 = %scan3A_128 to %scan3A_130 step %scan3A_131  : i32 {
          %mul3A_176 = arith.constant 16 : i32
          %mul3A_177 = arith.muli %scan3A_175, %mul3A_176 : i32
          %get3A = arith.index_cast %mul3A_177 : i32 to index
          %get3A_178 = tpu.vector_load %arg11[%get3A] {strides = array<i32>} : memref<128xi32, #tpu.memory_space<vmem>>, vector<16xi32>,
          tpu.vector_store_idx %arg15[%get3A_178], %broadcast_in_dim3A_29 {add = true} : memref<10240xf32, #tpu.memory_space<vmem>>[vector<16xi32>], vector<16xf32>,
        }
        %scan3A_132 = arith.constant 8 : i32
        %add3A_133 = arith.constant 2 : i32
        %add3A_134 = arith.addi %mul3A_112, %add3A_133 : i32
        %mul3A_135 = arith.constant 128 : i32
        %mul3A_136 = arith.muli %add3A_134, %mul3A_135 : i32
        %add3A_137 = arith.addi %mul3A_51, %mul3A_136 : i32
        %multiple_of3A_138 = tpu.assume_multiple %add3A_137, 128 : i32
        %dma_start3A_139 = tpu.memref_slice %arg3[%multiple_of3A_138] : memref<327680xi32, #tpu.memory_space<hbm>> -> memref<128xi32, #tpu.memory_space<hbm>>
        %dma_start3A_140 = tpu.memref_slice %arg3[%multiple_of3A_138] : memref<327680xi32, #tpu.memory_space<hbm>> -> memref<128xi32, #tpu.memory_space<hbm>>
        tpu.enqueue_dma source(%dma_start3A_140 : memref<128xi32, #tpu.memory_space<hbm>>) target(%arg9 : memref<128xi32, #tpu.memory_space<vmem>>) target_semaphore(%arg16 : memref<!tpu.dma_semaphore, #tpu.memory_space<semaphore_mem>>)
        %dma_start3A_141 = tpu.memref_slice %arg4[%multiple_of3A_138] : memref<327680xi32, #tpu.memory_space<hbm>> -> memref<128xi32, #tpu.memory_space<hbm>>
        %dma_start3A_142 = tpu.memref_slice %arg4[%multiple_of3A_138] : memref<327680xi32, #tpu.memory_space<hbm>> -> memref<128xi32, #tpu.memory_space<hbm>>
        tpu.enqueue_dma source(%dma_start3A_142 : memref<128xi32, #tpu.memory_space<hbm>>) target(%arg11 : memref<128xi32, #tpu.memory_space<vmem>>) target_semaphore(%arg16 : memref<!tpu.dma_semaphore, #tpu.memory_space<semaphore_mem>>)
        %add3A_143 = arith.constant 1 : i32
        %add3A_144 = arith.addi %mul3A_112, %add3A_143 : i32
        %dma_wait3A_145 = arith.constant 0 : i32
        %dma_wait3A_146 = tpu.memref_slice %arg3[%dma_wait3A_145] : memref<327680xi32, #tpu.memory_space<hbm>> -> memref<128xi32, #tpu.memory_space<hbm>>
        %dma_wait3A_147 = arith.constant 0 : i32
        %dma_wait3A_148 = tpu.memref_slice %arg3[%dma_wait3A_147] : memref<327680xi32, #tpu.memory_space<hbm>> -> memref<128xi32, #tpu.memory_space<hbm>>
        tpu.wait_dma2 semaphore(%arg16 : memref<!tpu.dma_semaphore, #tpu.memory_space<semaphore_mem>>) src(%dma_wait3A_148 : memref<128xi32, #tpu.memory_space<hbm>>) dst(%arg9 : memref<128xi32, #tpu.memory_space<vmem>>)
        %dma_wait3A_149 = arith.constant 0 : i32
        %dma_wait3A_150 = tpu.memref_slice %arg4[%dma_wait3A_149] : memref<327680xi32, #tpu.memory_space<hbm>> -> memref<128xi32, #tpu.memory_space<hbm>>
        %dma_wait3A_151 = arith.constant 0 : i32
        %dma_wait3A_152 = tpu.memref_slice %arg4[%dma_wait3A_151] : memref<327680xi32, #tpu.memory_space<hbm>> -> memref<128xi32, #tpu.memory_space<hbm>>
        tpu.wait_dma2 semaphore(%arg16 : memref<!tpu.dma_semaphore, #tpu.memory_space<semaphore_mem>>) src(%dma_wait3A_152 : memref<128xi32, #tpu.memory_space<hbm>>) dst(%arg11 : memref<128xi32, #tpu.memory_space<vmem>>)
        %dma_start3A_153 = arith.constant 0 : i32
        %dma_start3A_154 = arith.constant 0 : i32
        %dma_start3A_155 = tpu.memref_slice %arg2[%dma_start3A_153, %dma_start3A_154] : memref<10000x128xf32, #tpu.memory_space<hbm>> -> memref<10000x128xf32, #tpu.memory_space<hbm>>
        tpu.enqueue_indirect_dma source(%dma_start3A_155 : memref<10000x128xf32, #tpu.memory_space<hbm>>) target(%arg13 : memref<128x128xf32, #tpu.memory_space<vmem>>) offsets(%arg9 : memref<128xi32, #tpu.memory_space<vmem>>) semaphore(%arg18 : memref<!tpu.dma_semaphore, #tpu.memory_space<semaphore_mem>>)
        %dma_wait3A_156 = arith.constant 0 : i32
        %dma_wait3A_157 = arith.constant 0 : i32
        %dma_wait3A_158 = tpu.memref_slice %arg2[%dma_wait3A_156, %dma_wait3A_157] : memref<10000x128xf32, #tpu.memory_space<hbm>> -> memref<10000x128xf32, #tpu.memory_space<hbm>>
        tpu.wait_indirect_dma semaphore(%arg19 : memref<!tpu.dma_semaphore, #tpu.memory_space<semaphore_mem>>) src(%dma_wait3A_158 : memref<10000x128xf32, #tpu.memory_space<hbm>>) dst(%arg14 : memref<128x128xf32, #tpu.memory_space<vmem>>)
        "tpu.region"() ({
          %run_scoped3A = tpu.sem_alloc : memref<!tpu.dma_semaphore, #tpu.memory_space<semaphore_mem>>
          %dma_start3A_175 = arith.constant 0 : i32
          %dma_start3A_176 = arith.constant 0 : i32
          %dma_start3A_177 = tpu.memref_slice %arg20[%dma_start3A_175, %dma_start3A_176] : memref<10240x128xf32, #tpu.memory_space<vmem_shared>> -> memref<10240x128xf32, #tpu.memory_space<vmem_shared>>
          tpu.enqueue_indirect_dma source(%arg14 : memref<128x128xf32, #tpu.memory_space<vmem>>) target(%dma_start3A_177 : memref<10240x128xf32, #tpu.memory_space<vmem_shared>>) offsets(%arg12 : memref<128xi32, #tpu.memory_space<vmem>>) semaphore(%run_scoped3A : memref<!tpu.dma_semaphore, #tpu.memory_space<semaphore_mem>>) {add = true}
          %dma_wait3A_178 = arith.constant 0 : i32
          %dma_wait3A_179 = arith.constant 0 : i32
          %dma_wait3A_180 = tpu.memref_slice %arg20[%dma_wait3A_178, %dma_wait3A_179] : memref<10240x128xf32, #tpu.memory_space<vmem_shared>> -> memref<10240x128xf32, #tpu.memory_space<vmem_shared>>
          tpu.wait_indirect_dma semaphore(%run_scoped3A : memref<!tpu.dma_semaphore, #tpu.memory_space<semaphore_mem>>) src(%arg14 : memref<128x128xf32, #tpu.memory_space<vmem>>) dst(%dma_wait3A_180 : memref<10240x128xf32, #tpu.memory_space<vmem_shared>>)
          tpu.yield
        }) : () -> ()
        %scan3A_159 = arith.constant 0 : i32
        %scan3A_160 = arith.constant 0 : i32
        %scan3A_161 = arith.constant 8 : i32
        %scan3A_162 = arith.addi %scan3A_160, %scan3A_161 : i32
        %scan3A_163 = arith.constant 1 : i32
        scf.for %scan3A_175 = %scan3A_160 to %scan3A_162 step %scan3A_163  : i32 {
          %mul3A_176 = arith.constant 16 : i32
          %mul3A_177 = arith.muli %scan3A_175, %mul3A_176 : i32
          %get3A = arith.index_cast %mul3A_177 : i32 to index
          %get3A_178 = tpu.vector_load %arg12[%get3A] {strides = array<i32>} : memref<128xi32, #tpu.memory_space<vmem>>, vector<16xi32>,
          tpu.vector_store_idx %arg15[%get3A_178], %broadcast_in_dim3A_29 {add = true} : memref<10240xf32, #tpu.memory_space<vmem>>[vector<16xi32>], vector<16xf32>,
        }
        %scan3A_164 = arith.constant 8 : i32
        %add3A_165 = arith.constant 2 : i32
        %add3A_166 = arith.addi %add3A_144, %add3A_165 : i32
        %mul3A_167 = arith.constant 128 : i32
        %mul3A_168 = arith.muli %add3A_166, %mul3A_167 : i32
        %add3A_169 = arith.addi %mul3A_51, %mul3A_168 : i32
        %multiple_of3A_170 = tpu.assume_multiple %add3A_169, 128 : i32
        %dma_start3A_171 = tpu.memref_slice %arg3[%multiple_of3A_170] : memref<327680xi32, #tpu.memory_space<hbm>> -> memref<128xi32, #tpu.memory_space<hbm>>
        %dma_start3A_172 = tpu.memref_slice %arg3[%multiple_of3A_170] : memref<327680xi32, #tpu.memory_space<hbm>> -> memref<128xi32, #tpu.memory_space<hbm>>
        tpu.enqueue_dma source(%dma_start3A_172 : memref<128xi32, #tpu.memory_space<hbm>>) target(%arg10 : memref<128xi32, #tpu.memory_space<vmem>>) target_semaphore(%arg17 : memref<!tpu.dma_semaphore, #tpu.memory_space<semaphore_mem>>)
        %dma_start3A_173 = tpu.memref_slice %arg4[%multiple_of3A_170] : memref<327680xi32, #tpu.memory_space<hbm>> -> memref<128xi32, #tpu.memory_space<hbm>>
        %dma_start3A_174 = tpu.memref_slice %arg4[%multiple_of3A_170] : memref<327680xi32, #tpu.memory_space<hbm>> -> memref<128xi32, #tpu.memory_space<hbm>>
        tpu.enqueue_dma source(%dma_start3A_174 : memref<128xi32, #tpu.memory_space<hbm>>) target(%arg12 : memref<128xi32, #tpu.memory_space<vmem>>) target_semaphore(%arg17 : memref<!tpu.dma_semaphore, #tpu.memory_space<semaphore_mem>>)
      }
      %scan3A_80 = arith.constant 79 : i32
      %dma_wait3A_81 = arith.constant 0 : i32
      %dma_wait3A_82 = tpu.memref_slice %arg3[%dma_wait3A_81] : memref<327680xi32, #tpu.memory_space<hbm>> -> memref<128xi32, #tpu.memory_space<hbm>>
      %dma_wait3A_83 = arith.constant 0 : i32
      %dma_wait3A_84 = tpu.memref_slice %arg3[%dma_wait3A_83] : memref<327680xi32, #tpu.memory_space<hbm>> -> memref<128xi32, #tpu.memory_space<hbm>>
      tpu.wait_dma2 semaphore(%arg17 : memref<!tpu.dma_semaphore, #tpu.memory_space<semaphore_mem>>) src(%dma_wait3A_84 : memref<128xi32, #tpu.memory_space<hbm>>) dst(%arg10 : memref<128xi32, #tpu.memory_space<vmem>>)
      %dma_wait3A_85 = arith.constant 0 : i32
      %dma_wait3A_86 = tpu.memref_slice %arg4[%dma_wait3A_85] : memref<327680xi32, #tpu.memory_space<hbm>> -> memref<128xi32, #tpu.memory_space<hbm>>
      %dma_wait3A_87 = arith.constant 0 : i32
      %dma_wait3A_88 = tpu.memref_slice %arg4[%dma_wait3A_87] : memref<327680xi32, #tpu.memory_space<hbm>> -> memref<128xi32, #tpu.memory_space<hbm>>
      tpu.wait_dma2 semaphore(%arg17 : memref<!tpu.dma_semaphore, #tpu.memory_space<semaphore_mem>>) src(%dma_wait3A_88 : memref<128xi32, #tpu.memory_space<hbm>>) dst(%arg12 : memref<128xi32, #tpu.memory_space<vmem>>)
      %dma_start3A_89 = arith.constant 0 : i32
      %dma_start3A_90 = arith.constant 0 : i32
      %dma_start3A_91 = tpu.memref_slice %arg2[%dma_start3A_89, %dma_start3A_90] : memref<10000x128xf32, #tpu.memory_space<hbm>> -> memref<10000x128xf32, #tpu.memory_space<hbm>>
      tpu.enqueue_indirect_dma source(%dma_start3A_91 : memref<10000x128xf32, #tpu.memory_space<hbm>>) target(%arg14 : memref<128x128xf32, #tpu.memory_space<vmem>>) offsets(%arg10 : memref<128xi32, #tpu.memory_space<vmem>>) semaphore(%arg19 : memref<!tpu.dma_semaphore, #tpu.memory_space<semaphore_mem>>)
      %dma_wait3A_92 = arith.constant 0 : i32
      %dma_wait3A_93 = arith.constant 0 : i32
      %dma_wait3A_94 = tpu.memref_slice %arg2[%dma_wait3A_92, %dma_wait3A_93] : memref<10000x128xf32, #tpu.memory_space<hbm>> -> memref<10000x128xf32, #tpu.memory_space<hbm>>
      tpu.wait_indirect_dma semaphore(%arg18 : memref<!tpu.dma_semaphore, #tpu.memory_space<semaphore_mem>>) src(%dma_wait3A_94 : memref<10000x128xf32, #tpu.memory_space<hbm>>) dst(%arg13 : memref<128x128xf32, #tpu.memory_space<vmem>>)
      "tpu.region"() ({
        %run_scoped3A = tpu.sem_alloc : memref<!tpu.dma_semaphore, #tpu.memory_space<semaphore_mem>>
        %dma_start3A_110 = arith.constant 0 : i32
        %dma_start3A_111 = arith.constant 0 : i32
        %dma_start3A_112 = tpu.memref_slice %arg20[%dma_start3A_110, %dma_start3A_111] : memref<10240x128xf32, #tpu.memory_space<vmem_shared>> -> memref<10240x128xf32, #tpu.memory_space<vmem_shared>>
        tpu.enqueue_indirect_dma source(%arg13 : memref<128x128xf32, #tpu.memory_space<vmem>>) target(%dma_start3A_112 : memref<10240x128xf32, #tpu.memory_space<vmem_shared>>) offsets(%arg11 : memref<128xi32, #tpu.memory_space<vmem>>) semaphore(%run_scoped3A : memref<!tpu.dma_semaphore, #tpu.memory_space<semaphore_mem>>) {add = true}
        %dma_wait3A_113 = arith.constant 0 : i32
        %dma_wait3A_114 = arith.constant 0 : i32
        %dma_wait3A_115 = tpu.memref_slice %arg20[%dma_wait3A_113, %dma_wait3A_114] : memref<10240x128xf32, #tpu.memory_space<vmem_shared>> -> memref<10240x128xf32, #tpu.memory_space<vmem_shared>>
        tpu.wait_indirect_dma semaphore(%run_scoped3A : memref<!tpu.dma_semaphore, #tpu.memory_space<semaphore_mem>>) src(%arg13 : memref<128x128xf32, #tpu.memory_space<vmem>>) dst(%dma_wait3A_115 : memref<10240x128xf32, #tpu.memory_space<vmem_shared>>)
        tpu.yield
      }) : () -> ()
      %scan3A_95 = arith.constant 0 : i32
      %scan3A_96 = arith.constant 0 : i32
      %scan3A_97 = arith.constant 8 : i32
      %scan3A_98 = arith.addi %scan3A_96, %scan3A_97 : i32
      %scan3A_99 = arith.constant 1 : i32
      scf.for %scan3A_110 = %scan3A_96 to %scan3A_98 step %scan3A_99  : i32 {
        %mul3A_111 = arith.constant 16 : i32
        %mul3A_112 = arith.muli %scan3A_110, %mul3A_111 : i32
        %get3A = arith.index_cast %mul3A_112 : i32 to index
        %get3A_113 = tpu.vector_load %arg11[%get3A] {strides = array<i32>} : memref<128xi32, #tpu.memory_space<vmem>>, vector<16xi32>,
        tpu.vector_store_idx %arg15[%get3A_113], %broadcast_in_dim3A_29 {add = true} : memref<10240xf32, #tpu.memory_space<vmem>>[vector<16xi32>], vector<16xf32>,
      }
      %scan3A_100 = arith.constant 8 : i32
      %dma_wait3A_101 = arith.constant 0 : i32
      %dma_wait3A_102 = arith.constant 0 : i32
      %dma_wait3A_103 = tpu.memref_slice %arg2[%dma_wait3A_101, %dma_wait3A_102] : memref<10000x128xf32, #tpu.memory_space<hbm>> -> memref<10000x128xf32, #tpu.memory_space<hbm>>
      tpu.wait_indirect_dma semaphore(%arg19 : memref<!tpu.dma_semaphore, #tpu.memory_space<semaphore_mem>>) src(%dma_wait3A_103 : memref<10000x128xf32, #tpu.memory_space<hbm>>) dst(%arg14 : memref<128x128xf32, #tpu.memory_space<vmem>>)
      "tpu.region"() ({
        %run_scoped3A = tpu.sem_alloc : memref<!tpu.dma_semaphore, #tpu.memory_space<semaphore_mem>>
        %dma_start3A_110 = arith.constant 0 : i32
        %dma_start3A_111 = arith.constant 0 : i32
        %dma_start3A_112 = tpu.memref_slice %arg20[%dma_start3A_110, %dma_start3A_111] : memref<10240x128xf32, #tpu.memory_space<vmem_shared>> -> memref<10240x128xf32, #tpu.memory_space<vmem_shared>>
        tpu.enqueue_indirect_dma source(%arg14 : memref<128x128xf32, #tpu.memory_space<vmem>>) target(%dma_start3A_112 : memref<10240x128xf32, #tpu.memory_space<vmem_shared>>) offsets(%arg12 : memref<128xi32, #tpu.memory_space<vmem>>) semaphore(%run_scoped3A : memref<!tpu.dma_semaphore, #tpu.memory_space<semaphore_mem>>) {add = true}
        %dma_wait3A_113 = arith.constant 0 : i32
        %dma_wait3A_114 = arith.constant 0 : i32
        %dma_wait3A_115 = tpu.memref_slice %arg20[%dma_wait3A_113, %dma_wait3A_114] : memref<10240x128xf32, #tpu.memory_space<vmem_shared>> -> memref<10240x128xf32, #tpu.memory_space<vmem_shared>>
        tpu.wait_indirect_dma semaphore(%run_scoped3A : memref<!tpu.dma_semaphore, #tpu.memory_space<semaphore_mem>>) src(%arg14 : memref<128x128xf32, #tpu.memory_space<vmem>>) dst(%dma_wait3A_115 : memref<10240x128xf32, #tpu.memory_space<vmem_shared>>)
        tpu.yield
      }) : () -> ()
      %scan3A_104 = arith.constant 0 : i32
      %scan3A_105 = arith.constant 0 : i32
      %scan3A_106 = arith.constant 8 : i32
      %scan3A_107 = arith.addi %scan3A_105, %scan3A_106 : i32
      %scan3A_108 = arith.constant 1 : i32
      scf.for %scan3A_110 = %scan3A_105 to %scan3A_107 step %scan3A_108  : i32 {
        %mul3A_111 = arith.constant 16 : i32
        %mul3A_112 = arith.muli %scan3A_110, %mul3A_111 : i32
        %get3A = arith.index_cast %mul3A_112 : i32 to index
        %get3A_113 = tpu.vector_load %arg12[%get3A] {strides = array<i32>} : memref<128xi32, #tpu.memory_space<vmem>>, vector<16xi32>,
        tpu.vector_store_idx %arg15[%get3A_113], %broadcast_in_dim3A_29 {add = true} : memref<10240xf32, #tpu.memory_space<vmem>>[vector<16xi32>], vector<16xf32>,
      }
      %scan3A_109 = arith.constant 8 : i32
    } else {
    }
    %eq3A_32 = arith.constant 1 : i32
    %eq3A_33 = arith.cmpi eq, %arg0, %eq3A_32 : i32
    %convert_element_type3A_34 = arith.extui %eq3A_33 : i1 to i32
    %cond3A_35 = arith.constant 0 : i32
    %cond3A_36 = arith.cmpi ne, %convert_element_type3A_34, %cond3A_35 : i32
    scf.if %cond3A_36 {
      %mul3A_50 = arith.constant 20480 : i32
      %mul3A_51 = arith.muli %arg1, %mul3A_50 : i32
      %add3A_52 = arith.constant 0 : i32
      %add3A_53 = arith.addi %mul3A_51, %add3A_52 : i32
      %multiple_of3A_54 = tpu.assume_multiple %add3A_53, 128 : i32
      %dma_start3A = tpu.memref_slice %arg5[%multiple_of3A_54] : memref<327680xi32, #tpu.memory_space<hbm>> -> memref<128xi32, #tpu.memory_space<hbm>>
      %dma_start3A_55 = tpu.memref_slice %arg5[%multiple_of3A_54] : memref<327680xi32, #tpu.memory_space<hbm>> -> memref<128xi32, #tpu.memory_space<hbm>>
      tpu.enqueue_dma source(%dma_start3A_55 : memref<128xi32, #tpu.memory_space<hbm>>) target(%arg9 : memref<128xi32, #tpu.memory_space<vmem>>) target_semaphore(%arg16 : memref<!tpu.dma_semaphore, #tpu.memory_space<semaphore_mem>>)
      %dma_start3A_56 = tpu.memref_slice %arg6[%multiple_of3A_54] : memref<327680xi32, #tpu.memory_space<hbm>> -> memref<128xi32, #tpu.memory_space<hbm>>
      %dma_start3A_57 = tpu.memref_slice %arg6[%multiple_of3A_54] : memref<327680xi32, #tpu.memory_space<hbm>> -> memref<128xi32, #tpu.memory_space<hbm>>
      tpu.enqueue_dma source(%dma_start3A_57 : memref<128xi32, #tpu.memory_space<hbm>>) target(%arg11 : memref<128xi32, #tpu.memory_space<vmem>>) target_semaphore(%arg16 : memref<!tpu.dma_semaphore, #tpu.memory_space<semaphore_mem>>)
      %dma_wait3A = arith.constant 0 : i32
      %dma_wait3A_58 = tpu.memref_slice %arg5[%dma_wait3A] : memref<327680xi32, #tpu.memory_space<hbm>> -> memref<128xi32, #tpu.memory_space<hbm>>
      %dma_wait3A_59 = arith.constant 0 : i32
      %dma_wait3A_60 = tpu.memref_slice %arg5[%dma_wait3A_59] : memref<327680xi32, #tpu.memory_space<hbm>> -> memref<128xi32, #tpu.memory_space<hbm>>
      tpu.wait_dma2 semaphore(%arg16 : memref<!tpu.dma_semaphore, #tpu.memory_space<semaphore_mem>>) src(%dma_wait3A_60 : memref<128xi32, #tpu.memory_space<hbm>>) dst(%arg9 : memref<128xi32, #tpu.memory_space<vmem>>)
      %dma_wait3A_61 = arith.constant 0 : i32
      %dma_wait3A_62 = tpu.memref_slice %arg6[%dma_wait3A_61] : memref<327680xi32, #tpu.memory_space<hbm>> -> memref<128xi32, #tpu.memory_space<hbm>>
      %dma_wait3A_63 = arith.constant 0 : i32
      %dma_wait3A_64 = tpu.memref_slice %arg6[%dma_wait3A_63] : memref<327680xi32, #tpu.memory_space<hbm>> -> memref<128xi32, #tpu.memory_space<hbm>>
      tpu.wait_dma2 semaphore(%arg16 : memref<!tpu.dma_semaphore, #tpu.memory_space<semaphore_mem>>) src(%dma_wait3A_64 : memref<128xi32, #tpu.memory_space<hbm>>) dst(%arg11 : memref<128xi32, #tpu.memory_space<vmem>>)
      %dma_start3A_65 = arith.constant 0 : i32
      %dma_start3A_66 = arith.constant 0 : i32
      %dma_start3A_67 = tpu.memref_slice %arg2[%dma_start3A_65, %dma_start3A_66] : memref<10000x128xf32, #tpu.memory_space<hbm>> -> memref<10000x128xf32, #tpu.memory_space<hbm>>
      tpu.enqueue_indirect_dma source(%dma_start3A_67 : memref<10000x128xf32, #tpu.memory_space<hbm>>) target(%arg13 : memref<128x128xf32, #tpu.memory_space<vmem>>) offsets(%arg9 : memref<128xi32, #tpu.memory_space<vmem>>) semaphore(%arg18 : memref<!tpu.dma_semaphore, #tpu.memory_space<semaphore_mem>>)
      %add3A_68 = arith.constant 128 : i32
      %add3A_69 = arith.addi %mul3A_51, %add3A_68 : i32
      %multiple_of3A_70 = tpu.assume_multiple %add3A_69, 128 : i32
      %dma_start3A_71 = tpu.memref_slice %arg5[%multiple_of3A_70] : memref<327680xi32, #tpu.memory_space<hbm>> -> memref<128xi32, #tpu.memory_space<hbm>>
      %dma_start3A_72 = tpu.memref_slice %arg5[%multiple_of3A_70] : memref<327680xi32, #tpu.memory_space<hbm>> -> memref<128xi32, #tpu.memory_space<hbm>>
      tpu.enqueue_dma source(%dma_start3A_72 : memref<128xi32, #tpu.memory_space<hbm>>) target(%arg10 : memref<128xi32, #tpu.memory_space<vmem>>) target_semaphore(%arg17 : memref<!tpu.dma_semaphore, #tpu.memory_space<semaphore_mem>>)
      %dma_start3A_73 = tpu.memref_slice %arg6[%multiple_of3A_70] : memref<327680xi32, #tpu.memory_space<hbm>> -> memref<128xi32, #tpu.memory_space<hbm>>
      %dma_start3A_74 = tpu.memref_slice %arg6[%multiple_of3A_70] : memref<327680xi32, #tpu.memory_space<hbm>> -> memref<128xi32, #tpu.memory_space<hbm>>
      tpu.enqueue_dma source(%dma_start3A_74 : memref<128xi32, #tpu.memory_space<hbm>>) target(%arg12 : memref<128xi32, #tpu.memory_space<vmem>>) target_semaphore(%arg17 : memref<!tpu.dma_semaphore, #tpu.memory_space<semaphore_mem>>)
      %scan3A_75 = arith.constant 0 : i32
      %scan3A_76 = arith.constant 0 : i32
      %scan3A_77 = arith.constant 79 : i32
      %scan3A_78 = arith.addi %scan3A_76, %scan3A_77 : i32
      %scan3A_79 = arith.constant 1 : i32
      scf.for %scan3A_110 = %scan3A_76 to %scan3A_78 step %scan3A_79  : i32 {
        %mul3A_111 = arith.constant 2 : i32
        %mul3A_112 = arith.muli %mul3A_111, %scan3A_110 : i32
        %dma_wait3A_113 = arith.constant 0 : i32
        %dma_wait3A_114 = tpu.memref_slice %arg5[%dma_wait3A_113] : memref<327680xi32, #tpu.memory_space<hbm>> -> memref<128xi32, #tpu.memory_space<hbm>>
        %dma_wait3A_115 = arith.constant 0 : i32
        %dma_wait3A_116 = tpu.memref_slice %arg5[%dma_wait3A_115] : memref<327680xi32, #tpu.memory_space<hbm>> -> memref<128xi32, #tpu.memory_space<hbm>>
        tpu.wait_dma2 semaphore(%arg17 : memref<!tpu.dma_semaphore, #tpu.memory_space<semaphore_mem>>) src(%dma_wait3A_116 : memref<128xi32, #tpu.memory_space<hbm>>) dst(%arg10 : memref<128xi32, #tpu.memory_space<vmem>>)
        %dma_wait3A_117 = arith.constant 0 : i32
        %dma_wait3A_118 = tpu.memref_slice %arg6[%dma_wait3A_117] : memref<327680xi32, #tpu.memory_space<hbm>> -> memref<128xi32, #tpu.memory_space<hbm>>
        %dma_wait3A_119 = arith.constant 0 : i32
        %dma_wait3A_120 = tpu.memref_slice %arg6[%dma_wait3A_119] : memref<327680xi32, #tpu.memory_space<hbm>> -> memref<128xi32, #tpu.memory_space<hbm>>
        tpu.wait_dma2 semaphore(%arg17 : memref<!tpu.dma_semaphore, #tpu.memory_space<semaphore_mem>>) src(%dma_wait3A_120 : memref<128xi32, #tpu.memory_space<hbm>>) dst(%arg12 : memref<128xi32, #tpu.memory_space<vmem>>)
        %dma_start3A_121 = arith.constant 0 : i32
        %dma_start3A_122 = arith.constant 0 : i32
        %dma_start3A_123 = tpu.memref_slice %arg2[%dma_start3A_121, %dma_start3A_122] : memref<10000x128xf32, #tpu.memory_space<hbm>> -> memref<10000x128xf32, #tpu.memory_space<hbm>>
        tpu.enqueue_indirect_dma source(%dma_start3A_123 : memref<10000x128xf32, #tpu.memory_space<hbm>>) target(%arg14 : memref<128x128xf32, #tpu.memory_space<vmem>>) offsets(%arg10 : memref<128xi32, #tpu.memory_space<vmem>>) semaphore(%arg19 : memref<!tpu.dma_semaphore, #tpu.memory_space<semaphore_mem>>)
        %dma_wait3A_124 = arith.constant 0 : i32
        %dma_wait3A_125 = arith.constant 0 : i32
        %dma_wait3A_126 = tpu.memref_slice %arg2[%dma_wait3A_124, %dma_wait3A_125] : memref<10000x128xf32, #tpu.memory_space<hbm>> -> memref<10000x128xf32, #tpu.memory_space<hbm>>
        tpu.wait_indirect_dma semaphore(%arg18 : memref<!tpu.dma_semaphore, #tpu.memory_space<semaphore_mem>>) src(%dma_wait3A_126 : memref<10000x128xf32, #tpu.memory_space<hbm>>) dst(%arg13 : memref<128x128xf32, #tpu.memory_space<vmem>>)
        "tpu.region"() ({
          %run_scoped3A = tpu.sem_alloc : memref<!tpu.dma_semaphore, #tpu.memory_space<semaphore_mem>>
          %dma_start3A_175 = arith.constant 0 : i32
          %dma_start3A_176 = arith.constant 0 : i32
          %dma_start3A_177 = tpu.memref_slice %arg20[%dma_start3A_175, %dma_start3A_176] : memref<10240x128xf32, #tpu.memory_space<vmem_shared>> -> memref<10240x128xf32, #tpu.memory_space<vmem_shared>>
          tpu.enqueue_indirect_dma source(%arg13 : memref<128x128xf32, #tpu.memory_space<vmem>>) target(%dma_start3A_177 : memref<10240x128xf32, #tpu.memory_space<vmem_shared>>) offsets(%arg11 : memref<128xi32, #tpu.memory_space<vmem>>) semaphore(%run_scoped3A : memref<!tpu.dma_semaphore, #tpu.memory_space<semaphore_mem>>) {add = true}
          %dma_wait3A_178 = arith.constant 0 : i32
          %dma_wait3A_179 = arith.constant 0 : i32
          %dma_wait3A_180 = tpu.memref_slice %arg20[%dma_wait3A_178, %dma_wait3A_179] : memref<10240x128xf32, #tpu.memory_space<vmem_shared>> -> memref<10240x128xf32, #tpu.memory_space<vmem_shared>>
          tpu.wait_indirect_dma semaphore(%run_scoped3A : memref<!tpu.dma_semaphore, #tpu.memory_space<semaphore_mem>>) src(%arg13 : memref<128x128xf32, #tpu.memory_space<vmem>>) dst(%dma_wait3A_180 : memref<10240x128xf32, #tpu.memory_space<vmem_shared>>)
          tpu.yield
        }) : () -> ()
        %scan3A_127 = arith.constant 0 : i32
        %scan3A_128 = arith.constant 0 : i32
        %scan3A_129 = arith.constant 8 : i32
        %scan3A_130 = arith.addi %scan3A_128, %scan3A_129 : i32
        %scan3A_131 = arith.constant 1 : i32
        scf.for %scan3A_175 = %scan3A_128 to %scan3A_130 step %scan3A_131  : i32 {
          %mul3A_176 = arith.constant 16 : i32
          %mul3A_177 = arith.muli %scan3A_175, %mul3A_176 : i32
          %get3A = arith.index_cast %mul3A_177 : i32 to index
          %get3A_178 = tpu.vector_load %arg11[%get3A] {strides = array<i32>} : memref<128xi32, #tpu.memory_space<vmem>>, vector<16xi32>,
          tpu.vector_store_idx %arg15[%get3A_178], %broadcast_in_dim3A_29 {add = true} : memref<10240xf32, #tpu.memory_space<vmem>>[vector<16xi32>], vector<16xf32>,
        }
        %scan3A_132 = arith.constant 8 : i32
        %add3A_133 = arith.constant 2 : i32
        %add3A_134 = arith.addi %mul3A_112, %add3A_133 : i32
        %mul3A_135 = arith.constant 128 : i32
        %mul3A_136 = arith.muli %add3A_134, %mul3A_135 : i32
        %add3A_137 = arith.addi %mul3A_51, %mul3A_136 : i32
        %multiple_of3A_138 = tpu.assume_multiple %add3A_137, 128 : i32
        %dma_start3A_139 = tpu.memref_slice %arg5[%multiple_of3A_138] : memref<327680xi32, #tpu.memory_space<hbm>> -> memref<128xi32, #tpu.memory_space<hbm>>
        %dma_start3A_140 = tpu.memref_slice %arg5[%multiple_of3A_138] : memref<327680xi32, #tpu.memory_space<hbm>> -> memref<128xi32, #tpu.memory_space<hbm>>
        tpu.enqueue_dma source(%dma_start3A_140 : memref<128xi32, #tpu.memory_space<hbm>>) target(%arg9 : memref<128xi32, #tpu.memory_space<vmem>>) target_semaphore(%arg16 : memref<!tpu.dma_semaphore, #tpu.memory_space<semaphore_mem>>)
        %dma_start3A_141 = tpu.memref_slice %arg6[%multiple_of3A_138] : memref<327680xi32, #tpu.memory_space<hbm>> -> memref<128xi32, #tpu.memory_space<hbm>>
        %dma_start3A_142 = tpu.memref_slice %arg6[%multiple_of3A_138] : memref<327680xi32, #tpu.memory_space<hbm>> -> memref<128xi32, #tpu.memory_space<hbm>>
        tpu.enqueue_dma source(%dma_start3A_142 : memref<128xi32, #tpu.memory_space<hbm>>) target(%arg11 : memref<128xi32, #tpu.memory_space<vmem>>) target_semaphore(%arg16 : memref<!tpu.dma_semaphore, #tpu.memory_space<semaphore_mem>>)
        %add3A_143 = arith.constant 1 : i32
        %add3A_144 = arith.addi %mul3A_112, %add3A_143 : i32
        %dma_wait3A_145 = arith.constant 0 : i32
        %dma_wait3A_146 = tpu.memref_slice %arg5[%dma_wait3A_145] : memref<327680xi32, #tpu.memory_space<hbm>> -> memref<128xi32, #tpu.memory_space<hbm>>
        %dma_wait3A_147 = arith.constant 0 : i32
        %dma_wait3A_148 = tpu.memref_slice %arg5[%dma_wait3A_147] : memref<327680xi32, #tpu.memory_space<hbm>> -> memref<128xi32, #tpu.memory_space<hbm>>
        tpu.wait_dma2 semaphore(%arg16 : memref<!tpu.dma_semaphore, #tpu.memory_space<semaphore_mem>>) src(%dma_wait3A_148 : memref<128xi32, #tpu.memory_space<hbm>>) dst(%arg9 : memref<128xi32, #tpu.memory_space<vmem>>)
        %dma_wait3A_149 = arith.constant 0 : i32
        %dma_wait3A_150 = tpu.memref_slice %arg6[%dma_wait3A_149] : memref<327680xi32, #tpu.memory_space<hbm>> -> memref<128xi32, #tpu.memory_space<hbm>>
        %dma_wait3A_151 = arith.constant 0 : i32
        %dma_wait3A_152 = tpu.memref_slice %arg6[%dma_wait3A_151] : memref<327680xi32, #tpu.memory_space<hbm>> -> memref<128xi32, #tpu.memory_space<hbm>>
        tpu.wait_dma2 semaphore(%arg16 : memref<!tpu.dma_semaphore, #tpu.memory_space<semaphore_mem>>) src(%dma_wait3A_152 : memref<128xi32, #tpu.memory_space<hbm>>) dst(%arg11 : memref<128xi32, #tpu.memory_space<vmem>>)
        %dma_start3A_153 = arith.constant 0 : i32
        %dma_start3A_154 = arith.constant 0 : i32
        %dma_start3A_155 = tpu.memref_slice %arg2[%dma_start3A_153, %dma_start3A_154] : memref<10000x128xf32, #tpu.memory_space<hbm>> -> memref<10000x128xf32, #tpu.memory_space<hbm>>
        tpu.enqueue_indirect_dma source(%dma_start3A_155 : memref<10000x128xf32, #tpu.memory_space<hbm>>) target(%arg13 : memref<128x128xf32, #tpu.memory_space<vmem>>) offsets(%arg9 : memref<128xi32, #tpu.memory_space<vmem>>) semaphore(%arg18 : memref<!tpu.dma_semaphore, #tpu.memory_space<semaphore_mem>>)
        %dma_wait3A_156 = arith.constant 0 : i32
        %dma_wait3A_157 = arith.constant 0 : i32
        %dma_wait3A_158 = tpu.memref_slice %arg2[%dma_wait3A_156, %dma_wait3A_157] : memref<10000x128xf32, #tpu.memory_space<hbm>> -> memref<10000x128xf32, #tpu.memory_space<hbm>>
        tpu.wait_indirect_dma semaphore(%arg19 : memref<!tpu.dma_semaphore, #tpu.memory_space<semaphore_mem>>) src(%dma_wait3A_158 : memref<10000x128xf32, #tpu.memory_space<hbm>>) dst(%arg14 : memref<128x128xf32, #tpu.memory_space<vmem>>)
        "tpu.region"() ({
          %run_scoped3A = tpu.sem_alloc : memref<!tpu.dma_semaphore, #tpu.memory_space<semaphore_mem>>
          %dma_start3A_175 = arith.constant 0 : i32
          %dma_start3A_176 = arith.constant 0 : i32
          %dma_start3A_177 = tpu.memref_slice %arg20[%dma_start3A_175, %dma_start3A_176] : memref<10240x128xf32, #tpu.memory_space<vmem_shared>> -> memref<10240x128xf32, #tpu.memory_space<vmem_shared>>
          tpu.enqueue_indirect_dma source(%arg14 : memref<128x128xf32, #tpu.memory_space<vmem>>) target(%dma_start3A_177 : memref<10240x128xf32, #tpu.memory_space<vmem_shared>>) offsets(%arg12 : memref<128xi32, #tpu.memory_space<vmem>>) semaphore(%run_scoped3A : memref<!tpu.dma_semaphore, #tpu.memory_space<semaphore_mem>>) {add = true}
          %dma_wait3A_178 = arith.constant 0 : i32
          %dma_wait3A_179 = arith.constant 0 : i32
          %dma_wait3A_180 = tpu.memref_slice %arg20[%dma_wait3A_178, %dma_wait3A_179] : memref<10240x128xf32, #tpu.memory_space<vmem_shared>> -> memref<10240x128xf32, #tpu.memory_space<vmem_shared>>
          tpu.wait_indirect_dma semaphore(%run_scoped3A : memref<!tpu.dma_semaphore, #tpu.memory_space<semaphore_mem>>) src(%arg14 : memref<128x128xf32, #tpu.memory_space<vmem>>) dst(%dma_wait3A_180 : memref<10240x128xf32, #tpu.memory_space<vmem_shared>>)
          tpu.yield
        }) : () -> ()
        %scan3A_159 = arith.constant 0 : i32
        %scan3A_160 = arith.constant 0 : i32
        %scan3A_161 = arith.constant 8 : i32
        %scan3A_162 = arith.addi %scan3A_160, %scan3A_161 : i32
        %scan3A_163 = arith.constant 1 : i32
        scf.for %scan3A_175 = %scan3A_160 to %scan3A_162 step %scan3A_163  : i32 {
          %mul3A_176 = arith.constant 16 : i32
          %mul3A_177 = arith.muli %scan3A_175, %mul3A_176 : i32
          %get3A = arith.index_cast %mul3A_177 : i32 to index
          %get3A_178 = tpu.vector_load %arg12[%get3A] {strides = array<i32>} : memref<128xi32, #tpu.memory_space<vmem>>, vector<16xi32>,
          tpu.vector_store_idx %arg15[%get3A_178], %broadcast_in_dim3A_29 {add = true} : memref<10240xf32, #tpu.memory_space<vmem>>[vector<16xi32>], vector<16xf32>,
        }
        %scan3A_164 = arith.constant 8 : i32
        %add3A_165 = arith.constant 2 : i32
        %add3A_166 = arith.addi %add3A_144, %add3A_165 : i32
        %mul3A_167 = arith.constant 128 : i32
        %mul3A_168 = arith.muli %add3A_166, %mul3A_167 : i32
        %add3A_169 = arith.addi %mul3A_51, %mul3A_168 : i32
        %multiple_of3A_170 = tpu.assume_multiple %add3A_169, 128 : i32
        %dma_start3A_171 = tpu.memref_slice %arg5[%multiple_of3A_170] : memref<327680xi32, #tpu.memory_space<hbm>> -> memref<128xi32, #tpu.memory_space<hbm>>
        %dma_start3A_172 = tpu.memref_slice %arg5[%multiple_of3A_170] : memref<327680xi32, #tpu.memory_space<hbm>> -> memref<128xi32, #tpu.memory_space<hbm>>
        tpu.enqueue_dma source(%dma_start3A_172 : memref<128xi32, #tpu.memory_space<hbm>>) target(%arg10 : memref<128xi32, #tpu.memory_space<vmem>>) target_semaphore(%arg17 : memref<!tpu.dma_semaphore, #tpu.memory_space<semaphore_mem>>)
        %dma_start3A_173 = tpu.memref_slice %arg6[%multiple_of3A_170] : memref<327680xi32, #tpu.memory_space<hbm>> -> memref<128xi32, #tpu.memory_space<hbm>>
        %dma_start3A_174 = tpu.memref_slice %arg6[%multiple_of3A_170] : memref<327680xi32, #tpu.memory_space<hbm>> -> memref<128xi32, #tpu.memory_space<hbm>>
        tpu.enqueue_dma source(%dma_start3A_174 : memref<128xi32, #tpu.memory_space<hbm>>) target(%arg12 : memref<128xi32, #tpu.memory_space<vmem>>) target_semaphore(%arg17 : memref<!tpu.dma_semaphore, #tpu.memory_space<semaphore_mem>>)
      }
      %scan3A_80 = arith.constant 79 : i32
      %dma_wait3A_81 = arith.constant 0 : i32
      %dma_wait3A_82 = tpu.memref_slice %arg5[%dma_wait3A_81] : memref<327680xi32, #tpu.memory_space<hbm>> -> memref<128xi32, #tpu.memory_space<hbm>>
      %dma_wait3A_83 = arith.constant 0 : i32
      %dma_wait3A_84 = tpu.memref_slice %arg5[%dma_wait3A_83] : memref<327680xi32, #tpu.memory_space<hbm>> -> memref<128xi32, #tpu.memory_space<hbm>>
      tpu.wait_dma2 semaphore(%arg17 : memref<!tpu.dma_semaphore, #tpu.memory_space<semaphore_mem>>) src(%dma_wait3A_84 : memref<128xi32, #tpu.memory_space<hbm>>) dst(%arg10 : memref<128xi32, #tpu.memory_space<vmem>>)
      %dma_wait3A_85 = arith.constant 0 : i32
      %dma_wait3A_86 = tpu.memref_slice %arg6[%dma_wait3A_85] : memref<327680xi32, #tpu.memory_space<hbm>> -> memref<128xi32, #tpu.memory_space<hbm>>
      %dma_wait3A_87 = arith.constant 0 : i32
      %dma_wait3A_88 = tpu.memref_slice %arg6[%dma_wait3A_87] : memref<327680xi32, #tpu.memory_space<hbm>> -> memref<128xi32, #tpu.memory_space<hbm>>
      tpu.wait_dma2 semaphore(%arg17 : memref<!tpu.dma_semaphore, #tpu.memory_space<semaphore_mem>>) src(%dma_wait3A_88 : memref<128xi32, #tpu.memory_space<hbm>>) dst(%arg12 : memref<128xi32, #tpu.memory_space<vmem>>)
      %dma_start3A_89 = arith.constant 0 : i32
      %dma_start3A_90 = arith.constant 0 : i32
      %dma_start3A_91 = tpu.memref_slice %arg2[%dma_start3A_89, %dma_start3A_90] : memref<10000x128xf32, #tpu.memory_space<hbm>> -> memref<10000x128xf32, #tpu.memory_space<hbm>>
      tpu.enqueue_indirect_dma source(%dma_start3A_91 : memref<10000x128xf32, #tpu.memory_space<hbm>>) target(%arg14 : memref<128x128xf32, #tpu.memory_space<vmem>>) offsets(%arg10 : memref<128xi32, #tpu.memory_space<vmem>>) semaphore(%arg19 : memref<!tpu.dma_semaphore, #tpu.memory_space<semaphore_mem>>)
      %dma_wait3A_92 = arith.constant 0 : i32
      %dma_wait3A_93 = arith.constant 0 : i32
      %dma_wait3A_94 = tpu.memref_slice %arg2[%dma_wait3A_92, %dma_wait3A_93] : memref<10000x128xf32, #tpu.memory_space<hbm>> -> memref<10000x128xf32, #tpu.memory_space<hbm>>
      tpu.wait_indirect_dma semaphore(%arg18 : memref<!tpu.dma_semaphore, #tpu.memory_space<semaphore_mem>>) src(%dma_wait3A_94 : memref<10000x128xf32, #tpu.memory_space<hbm>>) dst(%arg13 : memref<128x128xf32, #tpu.memory_space<vmem>>)
      "tpu.region"() ({
        %run_scoped3A = tpu.sem_alloc : memref<!tpu.dma_semaphore, #tpu.memory_space<semaphore_mem>>
        %dma_start3A_110 = arith.constant 0 : i32
        %dma_start3A_111 = arith.constant 0 : i32
        %dma_start3A_112 = tpu.memref_slice %arg20[%dma_start3A_110, %dma_start3A_111] : memref<10240x128xf32, #tpu.memory_space<vmem_shared>> -> memref<10240x128xf32, #tpu.memory_space<vmem_shared>>
        tpu.enqueue_indirect_dma source(%arg13 : memref<128x128xf32, #tpu.memory_space<vmem>>) target(%dma_start3A_112 : memref<10240x128xf32, #tpu.memory_space<vmem_shared>>) offsets(%arg11 : memref<128xi32, #tpu.memory_space<vmem>>) semaphore(%run_scoped3A : memref<!tpu.dma_semaphore, #tpu.memory_space<semaphore_mem>>) {add = true}
        %dma_wait3A_113 = arith.constant 0 : i32
        %dma_wait3A_114 = arith.constant 0 : i32
        %dma_wait3A_115 = tpu.memref_slice %arg20[%dma_wait3A_113, %dma_wait3A_114] : memref<10240x128xf32, #tpu.memory_space<vmem_shared>> -> memref<10240x128xf32, #tpu.memory_space<vmem_shared>>
        tpu.wait_indirect_dma semaphore(%run_scoped3A : memref<!tpu.dma_semaphore, #tpu.memory_space<semaphore_mem>>) src(%arg13 : memref<128x128xf32, #tpu.memory_space<vmem>>) dst(%dma_wait3A_115 : memref<10240x128xf32, #tpu.memory_space<vmem_shared>>)
        tpu.yield
      }) : () -> ()
      %scan3A_95 = arith.constant 0 : i32
      %scan3A_96 = arith.constant 0 : i32
      %scan3A_97 = arith.constant 8 : i32
      %scan3A_98 = arith.addi %scan3A_96, %scan3A_97 : i32
      %scan3A_99 = arith.constant 1 : i32
      scf.for %scan3A_110 = %scan3A_96 to %scan3A_98 step %scan3A_99  : i32 {
        %mul3A_111 = arith.constant 16 : i32
        %mul3A_112 = arith.muli %scan3A_110, %mul3A_111 : i32
        %get3A = arith.index_cast %mul3A_112 : i32 to index
        %get3A_113 = tpu.vector_load %arg11[%get3A] {strides = array<i32>} : memref<128xi32, #tpu.memory_space<vmem>>, vector<16xi32>,
        tpu.vector_store_idx %arg15[%get3A_113], %broadcast_in_dim3A_29 {add = true} : memref<10240xf32, #tpu.memory_space<vmem>>[vector<16xi32>], vector<16xf32>,
      }
      %scan3A_100 = arith.constant 8 : i32
      %dma_wait3A_101 = arith.constant 0 : i32
      %dma_wait3A_102 = arith.constant 0 : i32
      %dma_wait3A_103 = tpu.memref_slice %arg2[%dma_wait3A_101, %dma_wait3A_102] : memref<10000x128xf32, #tpu.memory_space<hbm>> -> memref<10000x128xf32, #tpu.memory_space<hbm>>
      tpu.wait_indirect_dma semaphore(%arg19 : memref<!tpu.dma_semaphore, #tpu.memory_space<semaphore_mem>>) src(%dma_wait3A_103 : memref<10000x128xf32, #tpu.memory_space<hbm>>) dst(%arg14 : memref<128x128xf32, #tpu.memory_space<vmem>>)
      "tpu.region"() ({
        %run_scoped3A = tpu.sem_alloc : memref<!tpu.dma_semaphore, #tpu.memory_space<semaphore_mem>>
        %dma_start3A_110 = arith.constant 0 : i32
        %dma_start3A_111 = arith.constant 0 : i32
        %dma_start3A_112 = tpu.memref_slice %arg20[%dma_start3A_110, %dma_start3A_111] : memref<10240x128xf32, #tpu.memory_space<vmem_shared>> -> memref<10240x128xf32, #tpu.memory_space<vmem_shared>>
        tpu.enqueue_indirect_dma source(%arg14 : memref<128x128xf32, #tpu.memory_space<vmem>>) target(%dma_start3A_112 : memref<10240x128xf32, #tpu.memory_space<vmem_shared>>) offsets(%arg12 : memref<128xi32, #tpu.memory_space<vmem>>) semaphore(%run_scoped3A : memref<!tpu.dma_semaphore, #tpu.memory_space<semaphore_mem>>) {add = true}
        %dma_wait3A_113 = arith.constant 0 : i32
        %dma_wait3A_114 = arith.constant 0 : i32
        %dma_wait3A_115 = tpu.memref_slice %arg20[%dma_wait3A_113, %dma_wait3A_114] : memref<10240x128xf32, #tpu.memory_space<vmem_shared>> -> memref<10240x128xf32, #tpu.memory_space<vmem_shared>>
        tpu.wait_indirect_dma semaphore(%run_scoped3A : memref<!tpu.dma_semaphore, #tpu.memory_space<semaphore_mem>>) src(%arg14 : memref<128x128xf32, #tpu.memory_space<vmem>>) dst(%dma_wait3A_115 : memref<10240x128xf32, #tpu.memory_space<vmem_shared>>)
        tpu.yield
      }) : () -> ()
      %scan3A_104 = arith.constant 0 : i32
      %scan3A_105 = arith.constant 0 : i32
      %scan3A_106 = arith.constant 8 : i32
      %scan3A_107 = arith.addi %scan3A_105, %scan3A_106 : i32
      %scan3A_108 = arith.constant 1 : i32
      scf.for %scan3A_110 = %scan3A_105 to %scan3A_107 step %scan3A_108  : i32 {
        %mul3A_111 = arith.constant 16 : i32
        %mul3A_112 = arith.muli %scan3A_110, %mul3A_111 : i32
        %get3A = arith.index_cast %mul3A_112 : i32 to index
        %get3A_113 = tpu.vector_load %arg12[%get3A] {strides = array<i32>} : memref<128xi32, #tpu.memory_space<vmem>>, vector<16xi32>,
        tpu.vector_store_idx %arg15[%get3A_113], %broadcast_in_dim3A_29 {add = true} : memref<10240xf32, #tpu.memory_space<vmem>>[vector<16xi32>], vector<16xf32>,
      }
      %scan3A_109 = arith.constant 8 : i32
    } else {
    }
    %barrier3A_37 = arith.constant 0 : index
    tpu.barrier barrier_id(%barrier3A_37)
    %mul3A_38 = arith.constant 10240 : i32
    %mul3A_39 = arith.muli %arg0, %mul3A_38 : i32
    %mul3A_40 = arith.constant 640 : i32
    %mul3A_41 = arith.muli %arg1, %mul3A_40 : i32
    %add3A_42 = arith.addi %mul3A_39, %mul3A_41 : i32
    %multiple_of3A = tpu.assume_multiple %add3A_42, 8 : i32
    %mul3A_43 = arith.constant 640 : i32
    %mul3A_44 = arith.muli %arg1, %mul3A_43 : i32
    "tpu.region"() ({
      %run_scoped3A = tpu.sem_alloc : memref<!tpu.dma_semaphore, #tpu.memory_space<semaphore_mem>>
      %dma_start3A = arith.constant 0 : i32
      %dma_start3A_50 = tpu.memref_slice %arg7[%multiple_of3A, %dma_start3A] : memref<20480x128xf32, #tpu.memory_space<hbm>> -> memref<640x128xf32, #tpu.memory_space<hbm>>
      %dma_start3A_51 = arith.constant 0 : i32
      %dma_start3A_52 = tpu.memref_slice %arg20[%mul3A_44, %dma_start3A_51] : memref<10240x128xf32, #tpu.memory_space<vmem_shared>> -> memref<640x128xf32, #tpu.memory_space<vmem_shared>>
      tpu.enqueue_dma source(%dma_start3A_52 : memref<640x128xf32, #tpu.memory_space<vmem_shared>>) target(%dma_start3A_50 : memref<640x128xf32, #tpu.memory_space<hbm>>) target_semaphore(%run_scoped3A : memref<!tpu.dma_semaphore, #tpu.memory_space<semaphore_mem>>)
      %dma_wait3A = arith.constant 0 : i32
      %dma_wait3A_53 = tpu.memref_slice %arg7[%multiple_of3A, %dma_wait3A] : memref<20480x128xf32, #tpu.memory_space<hbm>> -> memref<640x128xf32, #tpu.memory_space<hbm>>
      %dma_wait3A_54 = arith.constant 0 : i32
      %dma_wait3A_55 = tpu.memref_slice %arg20[%mul3A_44, %dma_wait3A_54] : memref<10240x128xf32, #tpu.memory_space<vmem_shared>> -> memref<640x128xf32, #tpu.memory_space<vmem_shared>>
      tpu.wait_dma2 semaphore(%run_scoped3A : memref<!tpu.dma_semaphore, #tpu.memory_space<semaphore_mem>>) src(%dma_wait3A_55 : memref<640x128xf32, #tpu.memory_space<vmem_shared>>) dst(%dma_wait3A_53 : memref<640x128xf32, #tpu.memory_space<hbm>>)
      tpu.yield
    }) : () -> ()
    %mul3A_45 = arith.constant 16 : i32
    %mul3A_46 = arith.muli %arg0, %mul3A_45 : i32
    %add3A_47 = arith.addi %mul3A_46, %arg1 : i32
    %mul3A_48 = arith.constant 10240 : i32
    %mul3A_49 = arith.muli %add3A_47, %mul3A_48 : i32
    "tpu.region"() ({
      %run_scoped3A = tpu.sem_alloc : memref<!tpu.dma_semaphore, #tpu.memory_space<semaphore_mem>>
      %dma_start3A = tpu.memref_slice %arg8[%mul3A_49] : memref<327680xf32, #tpu.memory_space<hbm>> -> memref<10240xf32, #tpu.memory_space<hbm>>
      %dma_start3A_50 = tpu.memref_slice %arg8[%mul3A_49] : memref<327680xf32, #tpu.memory_space<hbm>> -> memref<10240xf32, #tpu.memory_space<hbm>>
      tpu.enqueue_dma source(%arg15 : memref<10240xf32, #tpu.memory_space<vmem>>) target(%dma_start3A_50 : memref<10240xf32, #tpu.memory_space<hbm>>) target_semaphore(%run_scoped3A : memref<!tpu.dma_semaphore, #tpu.memory_space<semaphore_mem>>)
      %dma_wait3A = tpu.memref_slice %arg8[%mul3A_49] : memref<327680xf32, #tpu.memory_space<hbm>> -> memref<10240xf32, #tpu.memory_space<hbm>>
      %dma_wait3A_51 = tpu.memref_slice %arg8[%mul3A_49] : memref<327680xf32, #tpu.memory_space<hbm>> -> memref<10240xf32, #tpu.memory_space<hbm>>
      tpu.wait_dma2 semaphore(%run_scoped3A : memref<!tpu.dma_semaphore, #tpu.memory_space<semaphore_mem>>) src(%arg15 : memref<10240xf32, #tpu.memory_space<vmem>>) dst(%dma_wait3A_51 : memref<10240xf32, #tpu.memory_space<hbm>>)
      tpu.yield
    }) : () -> ()
    return
  }
}

module attributes {stable_mosaic.version = 14 : i64} {
  func.func @_enc1_body(%arg0: i32, %arg1: memref<1000x512xf32, #tpu.memory_space<vmem>>, %arg2: memref<512x256xf32, #tpu.memory_space<vmem>>, %arg3: memref<1x256xf32, #tpu.memory_space<vmem>>, %arg4: memref<1000x256xf32, #tpu.memory_space<vmem>>, %arg5: memref<1x256xf32, #tpu.memory_space<vmem>>, %arg6: memref<1x256xf32, #tpu.memory_space<vmem>>) attributes {dimension_semantics = [#tpu.dimension_semantics<arbitrary>], iteration_bounds = array<i64: 10>, scalar_prefetch = 0 : i64, scratch_operands = 0 : i64, tpu.core_type = #tpu.core_type<tc>, window_params = [{transform_indices = @transform_0, window_bounds = array<i64: 1000, 512>}, {pipeline_mode = #tpu.pipeline_mode<synchronous>, transform_indices = @transform_1, window_bounds = array<i64: 512, 256>}, {pipeline_mode = #tpu.pipeline_mode<synchronous>, transform_indices = @transform_2, window_bounds = array<i64: 1, 256>}, {transform_indices = @transform_3, window_bounds = array<i64: 1000, 256>}, {pipeline_mode = #tpu.pipeline_mode<synchronous>, transform_indices = @transform_4, window_bounds = array<i64: 1, 256>}, {pipeline_mode = #tpu.pipeline_mode<synchronous>, transform_indices = @transform_5, window_bounds = array<i64: 1, 256>}]} {
    %get3A = arith.constant 0 : index
    %get3A_0 = arith.constant 0 : index
    %get3A_1 = vector.load %arg1[%get3A, %get3A_0] : memref<1000x512xf32, #tpu.memory_space<vmem>>, vector<1000x512xf32>
    %get3A_2 = arith.constant 0 : index
    %get3A_3 = arith.constant 0 : index
    %get3A_4 = vector.load %arg2[%get3A_2, %get3A_3] : memref<512x256xf32, #tpu.memory_space<vmem>>, vector<512x256xf32>
    %dot_general3A = arith.constant dense<0.000000e+00> : vector<1000x256xf32>
    %dot_general3A_5 = tpu.matmul %get3A_1, %get3A_4, %dot_general3A {dimension_numbers = #tpu.dot_dimension_numbers<[1], [0], [0], [1], [0, 0, 1, 1], [], []>, transpose_lhs_hint = false} : vector<1000x512xf32>, vector<512x256xf32>, vector<1000x256xf32> -> vector<1000x256xf32>
    %get3A_6 = arith.constant 0 : index
    %get3A_7 = arith.constant 0 : index
    %get3A_8 = vector.load %arg3[%get3A_6, %get3A_7] : memref<1x256xf32, #tpu.memory_space<vmem>>, vector<1x256xf32>
    %add3A = vector.broadcast %get3A_8 : vector<1x256xf32> to vector<1000x256xf32>
    %add3A_9 = arith.addf %dot_general3A_5, %add3A : vector<1000x256xf32>
    %swap3A = arith.constant 0 : index
    %swap3A_10 = arith.constant 0 : index
    %swap3A_11 = vector.load %arg4[%swap3A, %swap3A_10] : memref<1000x256xf32, #tpu.memory_space<vmem>>, vector<1000x256xf32>
    tpu.vector_store %arg4[%swap3A, %swap3A_10], %add3A_9 {strides = array<i32>} : memref<1000x256xf32, #tpu.memory_space<vmem>>, vector<1000x256xf32>,
    %reduce_sum3A = arith.constant dense<0.000000e+00> : vector<256xf32>
    %reduce_sum3A_12 = vector.multi_reduction <add>, %add3A_9, %reduce_sum3A [0] : vector<1000x256xf32> to vector<256xf32>
    %broadcast_in_dim3A = vector.shape_cast %reduce_sum3A_12 : vector<256xf32> to vector<1x256xf32>
    %mul3A = arith.mulf %add3A_9, %add3A_9 : vector<1000x256xf32>
    %reduce_sum3A_13 = arith.constant dense<0.000000e+00> : vector<256xf32>
    %reduce_sum3A_14 = vector.multi_reduction <add>, %mul3A, %reduce_sum3A_13 [0] : vector<1000x256xf32> to vector<256xf32>
    %broadcast_in_dim3A_15 = vector.shape_cast %reduce_sum3A_14 : vector<256xf32> to vector<1x256xf32>
    %eq3A = arith.constant 0 : i32
    %eq3A_16 = arith.cmpi eq, %arg0, %eq3A : i32
    %convert_element_type3A = arith.extui %eq3A_16 : i1 to i32
    %cond3A = arith.constant 0 : i32
    %cond3A_17 = arith.cmpi ne, %convert_element_type3A, %cond3A : i32
    scf.if %cond3A_17 {
      %swap3A_22 = arith.constant 0 : index
      %swap3A_23 = arith.constant 0 : index
      %swap3A_24 = vector.load %arg5[%swap3A_22, %swap3A_23] : memref<1x256xf32, #tpu.memory_space<vmem>>, vector<1x256xf32>
      tpu.vector_store %arg5[%swap3A_22, %swap3A_23], %broadcast_in_dim3A {strides = array<i32>} : memref<1x256xf32, #tpu.memory_space<vmem>>, vector<1x256xf32>,
      %swap3A_25 = arith.constant 0 : index
      %swap3A_26 = arith.constant 0 : index
      %swap3A_27 = vector.load %arg6[%swap3A_25, %swap3A_26] : memref<1x256xf32, #tpu.memory_space<vmem>>, vector<1x256xf32>
      tpu.vector_store %arg6[%swap3A_25, %swap3A_26], %broadcast_in_dim3A_15 {strides = array<i32>} : memref<1x256xf32, #tpu.memory_space<vmem>>, vector<1x256xf32>,
    } else {
    }
    %gt3A = arith.constant 0 : i32
    %gt3A_18 = arith.cmpi sgt, %arg0, %gt3A : i32
    %convert_element_type3A_19 = arith.extui %gt3A_18 : i1 to i32
    %cond3A_20 = arith.constant 0 : i32
    %cond3A_21 = arith.cmpi ne, %convert_element_type3A_19, %cond3A_20 : i32
    scf.if %cond3A_21 {
      %get3A_22 = arith.constant 0 : index
      %get3A_23 = arith.constant 0 : index
      %get3A_24 = vector.load %arg5[%get3A_22, %get3A_23] : memref<1x256xf32, #tpu.memory_space<vmem>>, vector<1x256xf32>
      %add3A_25 = arith.addf %get3A_24, %broadcast_in_dim3A : vector<1x256xf32>
      %swap3A_26 = arith.constant 0 : index
      %swap3A_27 = arith.constant 0 : index
      %swap3A_28 = vector.load %arg5[%swap3A_26, %swap3A_27] : memref<1x256xf32, #tpu.memory_space<vmem>>, vector<1x256xf32>
      tpu.vector_store %arg5[%swap3A_26, %swap3A_27], %add3A_25 {strides = array<i32>} : memref<1x256xf32, #tpu.memory_space<vmem>>, vector<1x256xf32>,
      %get3A_29 = arith.constant 0 : index
      %get3A_30 = arith.constant 0 : index
      %get3A_31 = vector.load %arg6[%get3A_29, %get3A_30] : memref<1x256xf32, #tpu.memory_space<vmem>>, vector<1x256xf32>
      %add3A_32 = arith.addf %get3A_31, %broadcast_in_dim3A_15 : vector<1x256xf32>
      %swap3A_33 = arith.constant 0 : index
      %swap3A_34 = arith.constant 0 : index
      %swap3A_35 = vector.load %arg6[%swap3A_33, %swap3A_34] : memref<1x256xf32, #tpu.memory_space<vmem>>, vector<1x256xf32>
      tpu.vector_store %arg6[%swap3A_33, %swap3A_34], %add3A_32 {strides = array<i32>} : memref<1x256xf32, #tpu.memory_space<vmem>>, vector<1x256xf32>,
    } else {
    }
    return
  }
  func.func @transform_0(%arg0: i32) -> (i32, i32) {
    %c0_i32 = arith.constant 0 : i32
    %c0_i32_0 = arith.constant 0 : i32
    return %arg0, %c0_i32 : i32, i32
  }
  func.func @transform_1(%arg0: i32) -> (i32, i32) {
    %c0_i32 = arith.constant 0 : i32
    %c0_i32_0 = arith.constant 0 : i32
    %c0_i32_1 = arith.constant 0 : i32
    return %c0_i32, %c0_i32_0 : i32, i32
  }
  func.func @transform_2(%arg0: i32) -> (i32, i32) {
    %c0_i32 = arith.constant 0 : i32
    %c0_i32_0 = arith.constant 0 : i32
    %c0_i32_1 = arith.constant 0 : i32
    return %c0_i32, %c0_i32_0 : i32, i32
  }
  func.func @transform_3(%arg0: i32) -> (i32, i32) {
    %c0_i32 = arith.constant 0 : i32
    %c0_i32_0 = arith.constant 0 : i32
    return %arg0, %c0_i32 : i32, i32
  }
  func.func @transform_4(%arg0: i32) -> (i32, i32) {
    %c0_i32 = arith.constant 0 : i32
    %c0_i32_0 = arith.constant 0 : i32
    %c0_i32_1 = arith.constant 0 : i32
    return %c0_i32, %c0_i32_0 : i32, i32
  }
  func.func @transform_5(%arg0: i32) -> (i32, i32) {
    %c0_i32 = arith.constant 0 : i32
    %c0_i32_0 = arith.constant 0 : i32
    %c0_i32_1 = arith.constant 0 : i32
    return %c0_i32, %c0_i32_0 : i32, i32
  }
}

module attributes {stable_mosaic.version = 14 : i64} {
  func.func @_enc2_body(%arg0: i32, %arg1: memref<1000x256xf32, #tpu.memory_space<vmem>>, %arg2: memref<1x256xf32, #tpu.memory_space<vmem>>, %arg3: memref<1x256xf32, #tpu.memory_space<vmem>>, %arg4: memref<1x256xf32, #tpu.memory_space<vmem>>, %arg5: memref<1x256xf32, #tpu.memory_space<vmem>>, %arg6: memref<256x128xf32, #tpu.memory_space<vmem>>, %arg7: memref<1x128xf32, #tpu.memory_space<vmem>>, %arg8: memref<1000x128xf32, #tpu.memory_space<vmem>>, %arg9: memref<1x128xf32, #tpu.memory_space<vmem>>, %arg10: memref<1x128xf32, #tpu.memory_space<vmem>>) attributes {dimension_semantics = [#tpu.dimension_semantics<arbitrary>], iteration_bounds = array<i64: 10>, scalar_prefetch = 0 : i64, scratch_operands = 0 : i64, tpu.core_type = #tpu.core_type<tc>, window_params = [{transform_indices = @transform_0, window_bounds = array<i64: 1000, 256>}, {pipeline_mode = #tpu.pipeline_mode<synchronous>, transform_indices = @transform_1, window_bounds = array<i64: 1, 256>}, {pipeline_mode = #tpu.pipeline_mode<synchronous>, transform_indices = @transform_2, window_bounds = array<i64: 1, 256>}, {pipeline_mode = #tpu.pipeline_mode<synchronous>, transform_indices = @transform_3, window_bounds = array<i64: 1, 256>}, {pipeline_mode = #tpu.pipeline_mode<synchronous>, transform_indices = @transform_4, window_bounds = array<i64: 1, 256>}, {pipeline_mode = #tpu.pipeline_mode<synchronous>, transform_indices = @transform_5, window_bounds = array<i64: 256, 128>}, {pipeline_mode = #tpu.pipeline_mode<synchronous>, transform_indices = @transform_6, window_bounds = array<i64: 1, 128>}, {transform_indices = @transform_7, window_bounds = array<i64: 1000, 128>}, {pipeline_mode = #tpu.pipeline_mode<synchronous>, transform_indices = @transform_8, window_bounds = array<i64: 1, 128>}, {pipeline_mode = #tpu.pipeline_mode<synchronous>, transform_indices = @transform_9, window_bounds = array<i64: 1, 128>}]} {
    %get3A = arith.constant 0 : index
    %get3A_0 = arith.constant 0 : index
    %get3A_1 = vector.load %arg2[%get3A, %get3A_0] : memref<1x256xf32, #tpu.memory_space<vmem>>, vector<1x256xf32>
    %div3A = arith.constant 1.000000e+04 : f32
    %div3A_2 = vector.broadcast %div3A : f32 to vector<1x256xf32>
    %div3A_3 = arith.divf %get3A_1, %div3A_2 : vector<1x256xf32>
    %get3A_4 = arith.constant 0 : index
    %get3A_5 = arith.constant 0 : index
    %get3A_6 = vector.load %arg3[%get3A_4, %get3A_5] : memref<1x256xf32, #tpu.memory_space<vmem>>, vector<1x256xf32>
    %div3A_7 = arith.constant 1.000000e+04 : f32
    %div3A_8 = vector.broadcast %div3A_7 : f32 to vector<1x256xf32>
    %div3A_9 = arith.divf %get3A_6, %div3A_8 : vector<1x256xf32>
    %mul3A = arith.mulf %div3A_3, %div3A_3 : vector<1x256xf32>
    %sub3A = arith.subf %div3A_9, %mul3A : vector<1x256xf32>
    %get3A_10 = arith.constant 0 : index
    %get3A_11 = arith.constant 0 : index
    %get3A_12 = vector.load %arg1[%get3A_10, %get3A_11] : memref<1000x256xf32, #tpu.memory_space<vmem>>, vector<1000x256xf32>
    %sub3A_13 = vector.broadcast %div3A_3 : vector<1x256xf32> to vector<1000x256xf32>
    %sub3A_14 = arith.subf %get3A_12, %sub3A_13 : vector<1000x256xf32>
    %add3A = arith.constant 9.99999974E-6 : f32
    %add3A_15 = vector.broadcast %add3A : f32 to vector<1x256xf32>
    %add3A_16 = arith.addf %sub3A, %add3A_15 : vector<1x256xf32>
    %rsqrt3A = math.rsqrt %add3A_16 : vector<1x256xf32>
    %mul3A_17 = vector.broadcast %rsqrt3A : vector<1x256xf32> to vector<1000x256xf32>
    %mul3A_18 = arith.mulf %sub3A_14, %mul3A_17 : vector<1000x256xf32>
    %get3A_19 = arith.constant 0 : index
    %get3A_20 = arith.constant 0 : index
    %get3A_21 = vector.load %arg4[%get3A_19, %get3A_20] : memref<1x256xf32, #tpu.memory_space<vmem>>, vector<1x256xf32>
    %mul3A_22 = vector.broadcast %get3A_21 : vector<1x256xf32> to vector<1000x256xf32>
    %mul3A_23 = arith.mulf %mul3A_18, %mul3A_22 : vector<1000x256xf32>
    %get3A_24 = arith.constant 0 : index
    %get3A_25 = arith.constant 0 : index
    %get3A_26 = vector.load %arg5[%get3A_24, %get3A_25] : memref<1x256xf32, #tpu.memory_space<vmem>>, vector<1x256xf32>
    %add3A_27 = vector.broadcast %get3A_26 : vector<1x256xf32> to vector<1000x256xf32>
    %add3A_28 = arith.addf %mul3A_23, %add3A_27 : vector<1000x256xf32>
    %max3A = arith.constant 0.000000e+00 : f32
    %max3A_29 = vector.broadcast %max3A : f32 to vector<1000x256xf32>
    %max3A_30 = arith.maximumf %add3A_28, %max3A_29 : vector<1000x256xf32>
    %get3A_31 = arith.constant 0 : index
    %get3A_32 = arith.constant 0 : index
    %get3A_33 = vector.load %arg6[%get3A_31, %get3A_32] : memref<256x128xf32, #tpu.memory_space<vmem>>, vector<256x128xf32>
    %dot_general3A = arith.constant dense<0.000000e+00> : vector<1000x128xf32>
    %dot_general3A_34 = tpu.matmul %max3A_30, %get3A_33, %dot_general3A {dimension_numbers = #tpu.dot_dimension_numbers<[1], [0], [0], [1], [0, 0, 1, 1], [], []>, transpose_lhs_hint = false} : vector<1000x256xf32>, vector<256x128xf32>, vector<1000x128xf32> -> vector<1000x128xf32>
    %get3A_35 = arith.constant 0 : index
    %get3A_36 = arith.constant 0 : index
    %get3A_37 = vector.load %arg7[%get3A_35, %get3A_36] : memref<1x128xf32, #tpu.memory_space<vmem>>, vector<1x128xf32>
    %add3A_38 = vector.broadcast %get3A_37 : vector<1x128xf32> to vector<1000x128xf32>
    %add3A_39 = arith.addf %dot_general3A_34, %add3A_38 : vector<1000x128xf32>
    %swap3A = arith.constant 0 : index
    %swap3A_40 = arith.constant 0 : index
    %swap3A_41 = vector.load %arg8[%swap3A, %swap3A_40] : memref<1000x128xf32, #tpu.memory_space<vmem>>, vector<1000x128xf32>
    tpu.vector_store %arg8[%swap3A, %swap3A_40], %add3A_39 {strides = array<i32>} : memref<1000x128xf32, #tpu.memory_space<vmem>>, vector<1000x128xf32>,
    %reduce_sum3A = arith.constant dense<0.000000e+00> : vector<128xf32>
    %reduce_sum3A_42 = vector.multi_reduction <add>, %add3A_39, %reduce_sum3A [0] : vector<1000x128xf32> to vector<128xf32>
    %broadcast_in_dim3A = vector.shape_cast %reduce_sum3A_42 : vector<128xf32> to vector<1x128xf32>
    %mul3A_43 = arith.mulf %add3A_39, %add3A_39 : vector<1000x128xf32>
    %reduce_sum3A_44 = arith.constant dense<0.000000e+00> : vector<128xf32>
    %reduce_sum3A_45 = vector.multi_reduction <add>, %mul3A_43, %reduce_sum3A_44 [0] : vector<1000x128xf32> to vector<128xf32>
    %broadcast_in_dim3A_46 = vector.shape_cast %reduce_sum3A_45 : vector<128xf32> to vector<1x128xf32>
    %eq3A = arith.constant 0 : i32
    %eq3A_47 = arith.cmpi eq, %arg0, %eq3A : i32
    %convert_element_type3A = arith.extui %eq3A_47 : i1 to i32
    %cond3A = arith.constant 0 : i32
    %cond3A_48 = arith.cmpi ne, %convert_element_type3A, %cond3A : i32
    scf.if %cond3A_48 {
      %swap3A_53 = arith.constant 0 : index
      %swap3A_54 = arith.constant 0 : index
      %swap3A_55 = vector.load %arg9[%swap3A_53, %swap3A_54] : memref<1x128xf32, #tpu.memory_space<vmem>>, vector<1x128xf32>
      tpu.vector_store %arg9[%swap3A_53, %swap3A_54], %broadcast_in_dim3A {strides = array<i32>} : memref<1x128xf32, #tpu.memory_space<vmem>>, vector<1x128xf32>,
      %swap3A_56 = arith.constant 0 : index
      %swap3A_57 = arith.constant 0 : index
      %swap3A_58 = vector.load %arg10[%swap3A_56, %swap3A_57] : memref<1x128xf32, #tpu.memory_space<vmem>>, vector<1x128xf32>
      tpu.vector_store %arg10[%swap3A_56, %swap3A_57], %broadcast_in_dim3A_46 {strides = array<i32>} : memref<1x128xf32, #tpu.memory_space<vmem>>, vector<1x128xf32>,
    } else {
    }
    %gt3A = arith.constant 0 : i32
    %gt3A_49 = arith.cmpi sgt, %arg0, %gt3A : i32
    %convert_element_type3A_50 = arith.extui %gt3A_49 : i1 to i32
    %cond3A_51 = arith.constant 0 : i32
    %cond3A_52 = arith.cmpi ne, %convert_element_type3A_50, %cond3A_51 : i32
    scf.if %cond3A_52 {
      %get3A_53 = arith.constant 0 : index
      %get3A_54 = arith.constant 0 : index
      %get3A_55 = vector.load %arg9[%get3A_53, %get3A_54] : memref<1x128xf32, #tpu.memory_space<vmem>>, vector<1x128xf32>
      %add3A_56 = arith.addf %get3A_55, %broadcast_in_dim3A : vector<1x128xf32>
      %swap3A_57 = arith.constant 0 : index
      %swap3A_58 = arith.constant 0 : index
      %swap3A_59 = vector.load %arg9[%swap3A_57, %swap3A_58] : memref<1x128xf32, #tpu.memory_space<vmem>>, vector<1x128xf32>
      tpu.vector_store %arg9[%swap3A_57, %swap3A_58], %add3A_56 {strides = array<i32>} : memref<1x128xf32, #tpu.memory_space<vmem>>, vector<1x128xf32>,
      %get3A_60 = arith.constant 0 : index
      %get3A_61 = arith.constant 0 : index
      %get3A_62 = vector.load %arg10[%get3A_60, %get3A_61] : memref<1x128xf32, #tpu.memory_space<vmem>>, vector<1x128xf32>
      %add3A_63 = arith.addf %get3A_62, %broadcast_in_dim3A_46 : vector<1x128xf32>
      %swap3A_64 = arith.constant 0 : index
      %swap3A_65 = arith.constant 0 : index
      %swap3A_66 = vector.load %arg10[%swap3A_64, %swap3A_65] : memref<1x128xf32, #tpu.memory_space<vmem>>, vector<1x128xf32>
      tpu.vector_store %arg10[%swap3A_64, %swap3A_65], %add3A_63 {strides = array<i32>} : memref<1x128xf32, #tpu.memory_space<vmem>>, vector<1x128xf32>,
    } else {
    }
    return
  }
  func.func @transform_0(%arg0: i32) -> (i32, i32) {
    %c0_i32 = arith.constant 0 : i32
    %c0_i32_0 = arith.constant 0 : i32
    return %arg0, %c0_i32 : i32, i32
  }
  func.func @transform_1(%arg0: i32) -> (i32, i32) {
    %c0_i32 = arith.constant 0 : i32
    %c0_i32_0 = arith.constant 0 : i32
    %c0_i32_1 = arith.constant 0 : i32
    return %c0_i32, %c0_i32_0 : i32, i32
  }
  func.func @transform_2(%arg0: i32) -> (i32, i32) {
    %c0_i32 = arith.constant 0 : i32
    %c0_i32_0 = arith.constant 0 : i32
    %c0_i32_1 = arith.constant 0 : i32
    return %c0_i32, %c0_i32_0 : i32, i32
  }
  func.func @transform_3(%arg0: i32) -> (i32, i32) {
    %c0_i32 = arith.constant 0 : i32
    %c0_i32_0 = arith.constant 0 : i32
    %c0_i32_1 = arith.constant 0 : i32
    return %c0_i32, %c0_i32_0 : i32, i32
  }
  func.func @transform_4(%arg0: i32) -> (i32, i32) {
    %c0_i32 = arith.constant 0 : i32
    %c0_i32_0 = arith.constant 0 : i32
    %c0_i32_1 = arith.constant 0 : i32
    return %c0_i32, %c0_i32_0 : i32, i32
  }
  func.func @transform_5(%arg0: i32) -> (i32, i32) {
    %c0_i32 = arith.constant 0 : i32
    %c0_i32_0 = arith.constant 0 : i32
    %c0_i32_1 = arith.constant 0 : i32
    return %c0_i32, %c0_i32_0 : i32, i32
  }
  func.func @transform_6(%arg0: i32) -> (i32, i32) {
    %c0_i32 = arith.constant 0 : i32
    %c0_i32_0 = arith.constant 0 : i32
    %c0_i32_1 = arith.constant 0 : i32
    return %c0_i32, %c0_i32_0 : i32, i32
  }
  func.func @transform_7(%arg0: i32) -> (i32, i32) {
    %c0_i32 = arith.constant 0 : i32
    %c0_i32_0 = arith.constant 0 : i32
    return %arg0, %c0_i32 : i32, i32
  }
  func.func @transform_8(%arg0: i32) -> (i32, i32) {
    %c0_i32 = arith.constant 0 : i32
    %c0_i32_0 = arith.constant 0 : i32
    %c0_i32_1 = arith.constant 0 : i32
    return %c0_i32, %c0_i32_0 : i32, i32
  }
  func.func @transform_9(%arg0: i32) -> (i32, i32) {
    %c0_i32 = arith.constant 0 : i32
    %c0_i32_0 = arith.constant 0 : i32
    %c0_i32_1 = arith.constant 0 : i32
    return %c0_i32, %c0_i32_0 : i32, i32
  }
}

module attributes {stable_mosaic.version = 14 : i64} {
  func.func @_enc3_body(%arg0: i32, %arg1: memref<1000x128xf32, #tpu.memory_space<vmem>>, %arg2: memref<1x128xf32, #tpu.memory_space<vmem>>, %arg3: memref<1x128xf32, #tpu.memory_space<vmem>>, %arg4: memref<1x128xf32, #tpu.memory_space<vmem>>, %arg5: memref<1x128xf32, #tpu.memory_space<vmem>>, %arg6: memref<128x128xf32, #tpu.memory_space<vmem>>, %arg7: memref<128x128xf32, #tpu.memory_space<vmem>>, %arg8: memref<1000x128xf32, #tpu.memory_space<vmem>>, %arg9: memref<1000x128xf32, #tpu.memory_space<vmem>>, %arg10: memref<1000x128xf32, #tpu.memory_space<vmem>>) attributes {dimension_semantics = [#tpu.dimension_semantics<arbitrary>], iteration_bounds = array<i64: 10>, scalar_prefetch = 0 : i64, scratch_operands = 0 : i64, tpu.core_type = #tpu.core_type<tc>, window_params = [{transform_indices = @transform_0, window_bounds = array<i64: 1000, 128>}, {pipeline_mode = #tpu.pipeline_mode<synchronous>, transform_indices = @transform_1, window_bounds = array<i64: 1, 128>}, {pipeline_mode = #tpu.pipeline_mode<synchronous>, transform_indices = @transform_2, window_bounds = array<i64: 1, 128>}, {pipeline_mode = #tpu.pipeline_mode<synchronous>, transform_indices = @transform_3, window_bounds = array<i64: 1, 128>}, {pipeline_mode = #tpu.pipeline_mode<synchronous>, transform_indices = @transform_4, window_bounds = array<i64: 1, 128>}, {pipeline_mode = #tpu.pipeline_mode<synchronous>, transform_indices = @transform_5, window_bounds = array<i64: 128, 128>}, {pipeline_mode = #tpu.pipeline_mode<synchronous>, transform_indices = @transform_6, window_bounds = array<i64: 128, 128>}, {transform_indices = @transform_7, window_bounds = array<i64: 1000, 128>}, {transform_indices = @transform_8, window_bounds = array<i64: 1000, 128>}, {transform_indices = @transform_9, window_bounds = array<i64: 1000, 128>}]} {
    %get3A = arith.constant 0 : index
    %get3A_0 = arith.constant 0 : index
    %get3A_1 = vector.load %arg2[%get3A, %get3A_0] : memref<1x128xf32, #tpu.memory_space<vmem>>, vector<1x128xf32>
    %div3A = arith.constant 1.000000e+04 : f32
    %div3A_2 = vector.broadcast %div3A : f32 to vector<1x128xf32>
    %div3A_3 = arith.divf %get3A_1, %div3A_2 : vector<1x128xf32>
    %get3A_4 = arith.constant 0 : index
    %get3A_5 = arith.constant 0 : index
    %get3A_6 = vector.load %arg3[%get3A_4, %get3A_5] : memref<1x128xf32, #tpu.memory_space<vmem>>, vector<1x128xf32>
    %div3A_7 = arith.constant 1.000000e+04 : f32
    %div3A_8 = vector.broadcast %div3A_7 : f32 to vector<1x128xf32>
    %div3A_9 = arith.divf %get3A_6, %div3A_8 : vector<1x128xf32>
    %mul3A = arith.mulf %div3A_3, %div3A_3 : vector<1x128xf32>
    %sub3A = arith.subf %div3A_9, %mul3A : vector<1x128xf32>
    %get3A_10 = arith.constant 0 : index
    %get3A_11 = arith.constant 0 : index
    %get3A_12 = vector.load %arg1[%get3A_10, %get3A_11] : memref<1000x128xf32, #tpu.memory_space<vmem>>, vector<1000x128xf32>
    %sub3A_13 = vector.broadcast %div3A_3 : vector<1x128xf32> to vector<1000x128xf32>
    %sub3A_14 = arith.subf %get3A_12, %sub3A_13 : vector<1000x128xf32>
    %add3A = arith.constant 9.99999974E-6 : f32
    %add3A_15 = vector.broadcast %add3A : f32 to vector<1x128xf32>
    %add3A_16 = arith.addf %sub3A, %add3A_15 : vector<1x128xf32>
    %rsqrt3A = math.rsqrt %add3A_16 : vector<1x128xf32>
    %mul3A_17 = vector.broadcast %rsqrt3A : vector<1x128xf32> to vector<1000x128xf32>
    %mul3A_18 = arith.mulf %sub3A_14, %mul3A_17 : vector<1000x128xf32>
    %get3A_19 = arith.constant 0 : index
    %get3A_20 = arith.constant 0 : index
    %get3A_21 = vector.load %arg4[%get3A_19, %get3A_20] : memref<1x128xf32, #tpu.memory_space<vmem>>, vector<1x128xf32>
    %mul3A_22 = vector.broadcast %get3A_21 : vector<1x128xf32> to vector<1000x128xf32>
    %mul3A_23 = arith.mulf %mul3A_18, %mul3A_22 : vector<1000x128xf32>
    %get3A_24 = arith.constant 0 : index
    %get3A_25 = arith.constant 0 : index
    %get3A_26 = vector.load %arg5[%get3A_24, %get3A_25] : memref<1x128xf32, #tpu.memory_space<vmem>>, vector<1x128xf32>
    %add3A_27 = vector.broadcast %get3A_26 : vector<1x128xf32> to vector<1000x128xf32>
    %add3A_28 = arith.addf %mul3A_23, %add3A_27 : vector<1000x128xf32>
    %max3A = arith.constant 0.000000e+00 : f32
    %max3A_29 = vector.broadcast %max3A : f32 to vector<1000x128xf32>
    %max3A_30 = arith.maximumf %add3A_28, %max3A_29 : vector<1000x128xf32>
    %swap3A = arith.constant 0 : index
    %swap3A_31 = arith.constant 0 : index
    %swap3A_32 = vector.load %arg8[%swap3A, %swap3A_31] : memref<1000x128xf32, #tpu.memory_space<vmem>>, vector<1000x128xf32>
    tpu.vector_store %arg8[%swap3A, %swap3A_31], %max3A_30 {strides = array<i32>} : memref<1000x128xf32, #tpu.memory_space<vmem>>, vector<1000x128xf32>,
    %get3A_33 = arith.constant 0 : index
    %get3A_34 = arith.constant 0 : index
    %get3A_35 = vector.load %arg6[%get3A_33, %get3A_34] : memref<128x128xf32, #tpu.memory_space<vmem>>, vector<128x128xf32>
    %dot_general3A = arith.constant dense<0.000000e+00> : vector<1000x128xf32>
    %dot_general3A_36 = tpu.matmul %max3A_30, %get3A_35, %dot_general3A {dimension_numbers = #tpu.dot_dimension_numbers<[1], [0], [0], [1], [0, 0, 1, 1], [], []>, transpose_lhs_hint = false} : vector<1000x128xf32>, vector<128x128xf32>, vector<1000x128xf32> -> vector<1000x128xf32>
    %swap3A_37 = arith.constant 0 : index
    %swap3A_38 = arith.constant 0 : index
    %swap3A_39 = vector.load %arg9[%swap3A_37, %swap3A_38] : memref<1000x128xf32, #tpu.memory_space<vmem>>, vector<1000x128xf32>
    tpu.vector_store %arg9[%swap3A_37, %swap3A_38], %dot_general3A_36 {strides = array<i32>} : memref<1000x128xf32, #tpu.memory_space<vmem>>, vector<1000x128xf32>,
    %get3A_40 = arith.constant 0 : index
    %get3A_41 = arith.constant 0 : index
    %get3A_42 = vector.load %arg7[%get3A_40, %get3A_41] : memref<128x128xf32, #tpu.memory_space<vmem>>, vector<128x128xf32>
    %dot_general3A_43 = arith.constant dense<0.000000e+00> : vector<1000x128xf32>
    %dot_general3A_44 = tpu.matmul %max3A_30, %get3A_42, %dot_general3A_43 {dimension_numbers = #tpu.dot_dimension_numbers<[1], [0], [0], [1], [0, 0, 1, 1], [], []>, transpose_lhs_hint = false} : vector<1000x128xf32>, vector<128x128xf32>, vector<1000x128xf32> -> vector<1000x128xf32>
    %swap3A_45 = arith.constant 0 : index
    %swap3A_46 = arith.constant 0 : index
    %swap3A_47 = vector.load %arg10[%swap3A_45, %swap3A_46] : memref<1000x128xf32, #tpu.memory_space<vmem>>, vector<1000x128xf32>
    tpu.vector_store %arg10[%swap3A_45, %swap3A_46], %dot_general3A_44 {strides = array<i32>} : memref<1000x128xf32, #tpu.memory_space<vmem>>, vector<1000x128xf32>,
    return
  }
  func.func @transform_0(%arg0: i32) -> (i32, i32) {
    %c0_i32 = arith.constant 0 : i32
    %c0_i32_0 = arith.constant 0 : i32
    return %arg0, %c0_i32 : i32, i32
  }
  func.func @transform_1(%arg0: i32) -> (i32, i32) {
    %c0_i32 = arith.constant 0 : i32
    %c0_i32_0 = arith.constant 0 : i32
    %c0_i32_1 = arith.constant 0 : i32
    return %c0_i32, %c0_i32_0 : i32, i32
  }
  func.func @transform_2(%arg0: i32) -> (i32, i32) {
    %c0_i32 = arith.constant 0 : i32
    %c0_i32_0 = arith.constant 0 : i32
    %c0_i32_1 = arith.constant 0 : i32
    return %c0_i32, %c0_i32_0 : i32, i32
  }
  func.func @transform_3(%arg0: i32) -> (i32, i32) {
    %c0_i32 = arith.constant 0 : i32
    %c0_i32_0 = arith.constant 0 : i32
    %c0_i32_1 = arith.constant 0 : i32
    return %c0_i32, %c0_i32_0 : i32, i32
  }
  func.func @transform_4(%arg0: i32) -> (i32, i32) {
    %c0_i32 = arith.constant 0 : i32
    %c0_i32_0 = arith.constant 0 : i32
    %c0_i32_1 = arith.constant 0 : i32
    return %c0_i32, %c0_i32_0 : i32, i32
  }
  func.func @transform_5(%arg0: i32) -> (i32, i32) {
    %c0_i32 = arith.constant 0 : i32
    %c0_i32_0 = arith.constant 0 : i32
    %c0_i32_1 = arith.constant 0 : i32
    return %c0_i32, %c0_i32_0 : i32, i32
  }
  func.func @transform_6(%arg0: i32) -> (i32, i32) {
    %c0_i32 = arith.constant 0 : i32
    %c0_i32_0 = arith.constant 0 : i32
    %c0_i32_1 = arith.constant 0 : i32
    return %c0_i32, %c0_i32_0 : i32, i32
  }
  func.func @transform_7(%arg0: i32) -> (i32, i32) {
    %c0_i32 = arith.constant 0 : i32
    %c0_i32_0 = arith.constant 0 : i32
    return %arg0, %c0_i32 : i32, i32
  }
  func.func @transform_8(%arg0: i32) -> (i32, i32) {
    %c0_i32 = arith.constant 0 : i32
    %c0_i32_0 = arith.constant 0 : i32
    return %arg0, %c0_i32 : i32, i32
  }
  func.func @transform_9(%arg0: i32) -> (i32, i32) {
    %c0_i32 = arith.constant 0 : i32
    %c0_i32_0 = arith.constant 0 : i32
    return %arg0, %c0_i32 : i32, i32
  }
}

module attributes {stable_mosaic.version = 14 : i64} {
  func.func @_dec_body(%arg0: i32, %arg1: memref<1000x128xf32, #tpu.memory_space<vmem>>, %arg2: memref<1000x128xf32, #tpu.memory_space<vmem>>, %arg3: memref<1000x128xf32, #tpu.memory_space<vmem>>, %arg4: memref<1000x128xf32, #tpu.memory_space<vmem>>, %arg5: memref<1000x16xf32, #tpu.memory_space<vmem>>, %arg6: memref<1000x128xf32, #tpu.memory_space<vmem>>, %arg7: memref<1000x16xf32, #tpu.memory_space<vmem>>, %arg8: memref<128x128xf32, #tpu.memory_space<vmem>>, %arg9: memref<1x128xf32, #tpu.memory_space<vmem>>, %arg10: memref<128x128xf32, #tpu.memory_space<vmem>>, %arg11: memref<1x128xf32, #tpu.memory_space<vmem>>, %arg12: memref<384x128xf32, #tpu.memory_space<vmem>>, %arg13: memref<1x128xf32, #tpu.memory_space<vmem>>, %arg14: memref<128x128xf32, #tpu.memory_space<vmem>>, %arg15: memref<1x128xf32, #tpu.memory_space<vmem>>, %arg16: memref<384x512xf32, #tpu.memory_space<vmem>>, %arg17: memref<1x512xf32, #tpu.memory_space<vmem>>, %arg18: memref<384x512xf32, #tpu.memory_space<vmem>>, %arg19: memref<1x512xf32, #tpu.memory_space<vmem>>, %arg20: memref<1x512xf32, #tpu.memory_space<vmem>>, %arg21: memref<128x8xf32, #tpu.memory_space<vmem>>, %arg22: memref<1x8xf32, #tpu.memory_space<vmem>>, %arg23: memref<128x16xf32, #tpu.memory_space<vmem>>, %arg24: memref<1x16xf32, #tpu.memory_space<vmem>>, %arg25: memref<1000x128xf32, #tpu.memory_space<vmem>>, %arg26: memref<1000x128xf32, #tpu.memory_space<vmem>>, %arg27: memref<1000x128xf32, #tpu.memory_space<vmem>>, %arg28: memref<1000x512xf32, #tpu.memory_space<vmem>>, %arg29: memref<1x512xf32, #tpu.memory_space<vmem>>, %arg30: memref<1000x512xf32, #tpu.memory_space<vmem>>, %arg31: memref<1000x8xf32, #tpu.memory_space<vmem>>, %arg32: memref<1000x16xf32, #tpu.memory_space<vmem>>) attributes {dimension_semantics = [#tpu.dimension_semantics<arbitrary>], iteration_bounds = array<i64: 10>, scalar_prefetch = 0 : i64, scratch_operands = 0 : i64, tpu.core_type = #tpu.core_type<tc>, window_params = [{transform_indices = @transform_0, window_bounds = array<i64: 1000, 128>}, {transform_indices = @transform_1, window_bounds = array<i64: 1000, 128>}, {transform_indices = @transform_2, window_bounds = array<i64: 1000, 128>}, {transform_indices = @transform_3, window_bounds = array<i64: 1000, 128>}, {transform_indices = @transform_4, window_bounds = array<i64: 1000, 16>}, {transform_indices = @transform_5, window_bounds = array<i64: 1000, 128>}, {transform_indices = @transform_6, window_bounds = array<i64: 1000, 16>}, {pipeline_mode = #tpu.pipeline_mode<synchronous>, transform_indices = @transform_7, window_bounds = array<i64: 128, 128>}, {pipeline_mode = #tpu.pipeline_mode<synchronous>, transform_indices = @transform_8, window_bounds = array<i64: 1, 128>}, {pipeline_mode = #tpu.pipeline_mode<synchronous>, transform_indices = @transform_9, window_bounds = array<i64: 128, 128>}, {pipeline_mode = #tpu.pipeline_mode<synchronous>, transform_indices = @transform_10, window_bounds = array<i64: 1, 128>}, {pipeline_mode = #tpu.pipeline_mode<synchronous>, transform_indices = @transform_11, window_bounds = array<i64: 384, 128>}, {pipeline_mode = #tpu.pipeline_mode<synchronous>, transform_indices = @transform_12, window_bounds = array<i64: 1, 128>}, {pipeline_mode = #tpu.pipeline_mode<synchronous>, transform_indices = @transform_13, window_bounds = array<i64: 128, 128>}, {pipeline_mode = #tpu.pipeline_mode<synchronous>, transform_indices = @transform_14, window_bounds = array<i64: 1, 128>}, {pipeline_mode = #tpu.pipeline_mode<synchronous>, transform_indices = @transform_15, window_bounds = array<i64: 384, 512>}, {pipeline_mode = #tpu.pipeline_mode<synchronous>, transform_indices = @transform_16, window_bounds = array<i64: 1, 512>}, {pipeline_mode = #tpu.pipeline_mode<synchronous>, transform_indices = @transform_17, window_bounds = array<i64: 384, 512>}, {pipeline_mode = #tpu.pipeline_mode<synchronous>, transform_indices = @transform_18, window_bounds = array<i64: 1, 512>}, {pipeline_mode = #tpu.pipeline_mode<synchronous>, transform_indices = @transform_19, window_bounds = array<i64: 1, 512>}, {pipeline_mode = #tpu.pipeline_mode<synchronous>, transform_indices = @transform_20, window_bounds = array<i64: 128, 8>}, {pipeline_mode = #tpu.pipeline_mode<synchronous>, transform_indices = @transform_21, window_bounds = array<i64: 1, 8>}, {pipeline_mode = #tpu.pipeline_mode<synchronous>, transform_indices = @transform_22, window_bounds = array<i64: 128, 16>}, {pipeline_mode = #tpu.pipeline_mode<synchronous>, transform_indices = @transform_23, window_bounds = array<i64: 1, 16>}, {transform_indices = @transform_24, window_bounds = array<i64: 1000, 128>}, {transform_indices = @transform_25, window_bounds = array<i64: 1000, 128>}, {transform_indices = @transform_26, window_bounds = array<i64: 1000, 128>}, {transform_indices = @transform_27, window_bounds = array<i64: 1000, 512>}, {pipeline_mode = #tpu.pipeline_mode<synchronous>, transform_indices = @transform_28, window_bounds = array<i64: 1, 512>}, {transform_indices = @transform_29, window_bounds = array<i64: 1000, 512>}, {transform_indices = @transform_30, window_bounds = array<i64: 1000, 8>}, {transform_indices = @transform_31, window_bounds = array<i64: 1000, 16>}]} {
    %get3A = arith.constant 0 : index
    %get3A_0 = arith.constant 0 : index
    %get3A_1 = vector.load %arg5[%get3A, %get3A_0] : memref<1000x16xf32, #tpu.memory_space<vmem>>, vector<1000x16xf32>
    %reduce_sum3A = arith.constant dense<0.000000e+00> : vector<1000xf32>
    %reduce_sum3A_2 = vector.multi_reduction <add>, %get3A_1, %reduce_sum3A [1] : vector<1000x16xf32> to vector<1000xf32>
    %broadcast_in_dim3A = vector.shape_cast %reduce_sum3A_2 : vector<1000xf32> to vector<1000x1xf32>
    %max3A = arith.constant 1.000000e+00 : f32
    %max3A_3 = vector.broadcast %max3A : f32 to vector<1000x1xf32>
    %max3A_4 = arith.maximumf %broadcast_in_dim3A, %max3A_3 : vector<1000x1xf32>
    %get3A_5 = arith.constant 0 : index
    %get3A_6 = arith.constant 0 : index
    %get3A_7 = vector.load %arg7[%get3A_5, %get3A_6] : memref<1000x16xf32, #tpu.memory_space<vmem>>, vector<1000x16xf32>
    %reduce_sum3A_8 = arith.constant dense<0.000000e+00> : vector<1000xf32>
    %reduce_sum3A_9 = vector.multi_reduction <add>, %get3A_7, %reduce_sum3A_8 [1] : vector<1000x16xf32> to vector<1000xf32>
    %broadcast_in_dim3A_10 = vector.shape_cast %reduce_sum3A_9 : vector<1000xf32> to vector<1000x1xf32>
    %max3A_11 = arith.constant 1.000000e+00 : f32
    %max3A_12 = vector.broadcast %max3A_11 : f32 to vector<1000x1xf32>
    %max3A_13 = arith.maximumf %broadcast_in_dim3A_10, %max3A_12 : vector<1000x1xf32>
    %get3A_14 = arith.constant 0 : index
    %get3A_15 = arith.constant 0 : index
    %get3A_16 = vector.load %arg4[%get3A_14, %get3A_15] : memref<1000x128xf32, #tpu.memory_space<vmem>>, vector<1000x128xf32>
    %div3A = vector.broadcast %max3A_4 : vector<1000x1xf32> to vector<1000x128xf32>
    %div3A_17 = arith.divf %get3A_16, %div3A : vector<1000x128xf32>
    %get3A_18 = arith.constant 0 : index
    %get3A_19 = arith.constant 0 : index
    %get3A_20 = vector.load %arg6[%get3A_18, %get3A_19] : memref<1000x128xf32, #tpu.memory_space<vmem>>, vector<1000x128xf32>
    %div3A_21 = vector.broadcast %max3A_13 : vector<1000x1xf32> to vector<1000x128xf32>
    %div3A_22 = arith.divf %get3A_20, %div3A_21 : vector<1000x128xf32>
    %get3A_23 = arith.constant 0 : index
    %get3A_24 = arith.constant 0 : index
    %get3A_25 = vector.load %arg8[%get3A_23, %get3A_24] : memref<128x128xf32, #tpu.memory_space<vmem>>, vector<128x128xf32>
    %dot_general3A = arith.constant dense<0.000000e+00> : vector<1000x128xf32>
    %dot_general3A_26 = tpu.matmul %div3A_17, %get3A_25, %dot_general3A {dimension_numbers = #tpu.dot_dimension_numbers<[1], [0], [0], [1], [0, 0, 1, 1], [], []>, transpose_lhs_hint = false} : vector<1000x128xf32>, vector<128x128xf32>, vector<1000x128xf32> -> vector<1000x128xf32>
    %get3A_27 = arith.constant 0 : index
    %get3A_28 = arith.constant 0 : index
    %get3A_29 = vector.load %arg9[%get3A_27, %get3A_28] : memref<1x128xf32, #tpu.memory_space<vmem>>, vector<1x128xf32>
    %add3A = vector.broadcast %get3A_29 : vector<1x128xf32> to vector<1000x128xf32>
    %add3A_30 = arith.addf %dot_general3A_26, %add3A : vector<1000x128xf32>
    %get3A_31 = arith.constant 0 : index
    %get3A_32 = arith.constant 0 : index
    %get3A_33 = vector.load %arg2[%get3A_31, %get3A_32] : memref<1000x128xf32, #tpu.memory_space<vmem>>, vector<1000x128xf32>
    %add3A_34 = arith.addf %add3A_30, %get3A_33 : vector<1000x128xf32>
    %get3A_35 = arith.constant 0 : index
    %get3A_36 = arith.constant 0 : index
    %get3A_37 = vector.load %arg10[%get3A_35, %get3A_36] : memref<128x128xf32, #tpu.memory_space<vmem>>, vector<128x128xf32>
    %dot_general3A_38 = arith.constant dense<0.000000e+00> : vector<1000x128xf32>
    %dot_general3A_39 = tpu.matmul %div3A_22, %get3A_37, %dot_general3A_38 {dimension_numbers = #tpu.dot_dimension_numbers<[1], [0], [0], [1], [0, 0, 1, 1], [], []>, transpose_lhs_hint = false} : vector<1000x128xf32>, vector<128x128xf32>, vector<1000x128xf32> -> vector<1000x128xf32>
    %get3A_40 = arith.constant 0 : index
    %get3A_41 = arith.constant 0 : index
    %get3A_42 = vector.load %arg11[%get3A_40, %get3A_41] : memref<1x128xf32, #tpu.memory_space<vmem>>, vector<1x128xf32>
    %add3A_43 = vector.broadcast %get3A_42 : vector<1x128xf32> to vector<1000x128xf32>
    %add3A_44 = arith.addf %dot_general3A_39, %add3A_43 : vector<1000x128xf32>
    %get3A_45 = arith.constant 0 : index
    %get3A_46 = arith.constant 0 : index
    %get3A_47 = vector.load %arg3[%get3A_45, %get3A_46] : memref<1000x128xf32, #tpu.memory_space<vmem>>, vector<1000x128xf32>
    %add3A_48 = arith.addf %add3A_44, %get3A_47 : vector<1000x128xf32>
    %swap3A = arith.constant 0 : index
    %swap3A_49 = arith.constant 0 : index
    %swap3A_50 = vector.load %arg25[%swap3A, %swap3A_49] : memref<1000x128xf32, #tpu.memory_space<vmem>>, vector<1000x128xf32>
    tpu.vector_store %arg25[%swap3A, %swap3A_49], %add3A_34 {strides = array<i32>} : memref<1000x128xf32, #tpu.memory_space<vmem>>, vector<1000x128xf32>,
    %swap3A_51 = arith.constant 0 : index
    %swap3A_52 = arith.constant 0 : index
    %swap3A_53 = vector.load %arg26[%swap3A_51, %swap3A_52] : memref<1000x128xf32, #tpu.memory_space<vmem>>, vector<1000x128xf32>
    tpu.vector_store %arg26[%swap3A_51, %swap3A_52], %add3A_48 {strides = array<i32>} : memref<1000x128xf32, #tpu.memory_space<vmem>>, vector<1000x128xf32>,
    %get3A_54 = arith.constant 0 : index
    %get3A_55 = arith.constant 0 : index
    %get3A_56 = vector.load %arg1[%get3A_54, %get3A_55] : memref<1000x128xf32, #tpu.memory_space<vmem>>, vector<1000x128xf32>
    %get3A_57 = arith.constant 0 : index
    %get3A_58 = arith.constant 0 : index
    %get3A_59 = vector.load %arg12[%get3A_57, %get3A_58] : memref<384x128xf32, #tpu.memory_space<vmem>>, vector<128x128xf32>
    %dot_general3A_60 = arith.constant dense<0.000000e+00> : vector<1000x128xf32>
    %dot_general3A_61 = tpu.matmul %get3A_56, %get3A_59, %dot_general3A_60 {dimension_numbers = #tpu.dot_dimension_numbers<[1], [0], [0], [1], [0, 0, 1, 1], [], []>, transpose_lhs_hint = false} : vector<1000x128xf32>, vector<128x128xf32>, vector<1000x128xf32> -> vector<1000x128xf32>
    %get3A_62 = arith.constant 128 : index
    %get3A_63 = arith.constant 0 : index
    %get3A_64 = vector.load %arg12[%get3A_62, %get3A_63] : memref<384x128xf32, #tpu.memory_space<vmem>>, vector<128x128xf32>
    %dot_general3A_65 = arith.constant dense<0.000000e+00> : vector<1000x128xf32>
    %dot_general3A_66 = tpu.matmul %add3A_34, %get3A_64, %dot_general3A_65 {dimension_numbers = #tpu.dot_dimension_numbers<[1], [0], [0], [1], [0, 0, 1, 1], [], []>, transpose_lhs_hint = false} : vector<1000x128xf32>, vector<128x128xf32>, vector<1000x128xf32> -> vector<1000x128xf32>
    %add3A_67 = arith.addf %dot_general3A_61, %dot_general3A_66 : vector<1000x128xf32>
    %get3A_68 = arith.constant 256 : index
    %get3A_69 = arith.constant 0 : index
    %get3A_70 = vector.load %arg12[%get3A_68, %get3A_69] : memref<384x128xf32, #tpu.memory_space<vmem>>, vector<128x128xf32>
    %dot_general3A_71 = arith.constant dense<0.000000e+00> : vector<1000x128xf32>
    %dot_general3A_72 = tpu.matmul %add3A_48, %get3A_70, %dot_general3A_71 {dimension_numbers = #tpu.dot_dimension_numbers<[1], [0], [0], [1], [0, 0, 1, 1], [], []>, transpose_lhs_hint = false} : vector<1000x128xf32>, vector<128x128xf32>, vector<1000x128xf32> -> vector<1000x128xf32>
    %add3A_73 = arith.addf %add3A_67, %dot_general3A_72 : vector<1000x128xf32>
    %get3A_74 = arith.constant 0 : index
    %get3A_75 = arith.constant 0 : index
    %get3A_76 = vector.load %arg13[%get3A_74, %get3A_75] : memref<1x128xf32, #tpu.memory_space<vmem>>, vector<1x128xf32>
    %add3A_77 = vector.broadcast %get3A_76 : vector<1x128xf32> to vector<1000x128xf32>
    %add3A_78 = arith.addf %add3A_73, %add3A_77 : vector<1000x128xf32>
    %max3A_79 = arith.constant 0.000000e+00 : f32
    %max3A_80 = vector.broadcast %max3A_79 : f32 to vector<1000x128xf32>
    %max3A_81 = arith.maximumf %add3A_78, %max3A_80 : vector<1000x128xf32>
    %get3A_82 = arith.constant 0 : index
    %get3A_83 = arith.constant 0 : index
    %get3A_84 = vector.load %arg14[%get3A_82, %get3A_83] : memref<128x128xf32, #tpu.memory_space<vmem>>, vector<128x128xf32>
    %dot_general3A_85 = arith.constant dense<0.000000e+00> : vector<1000x128xf32>
    %dot_general3A_86 = tpu.matmul %max3A_81, %get3A_84, %dot_general3A_85 {dimension_numbers = #tpu.dot_dimension_numbers<[1], [0], [0], [1], [0, 0, 1, 1], [], []>, transpose_lhs_hint = false} : vector<1000x128xf32>, vector<128x128xf32>, vector<1000x128xf32> -> vector<1000x128xf32>
    %get3A_87 = arith.constant 0 : index
    %get3A_88 = arith.constant 0 : index
    %get3A_89 = vector.load %arg15[%get3A_87, %get3A_88] : memref<1x128xf32, #tpu.memory_space<vmem>>, vector<1x128xf32>
    %add3A_90 = vector.broadcast %get3A_89 : vector<1x128xf32> to vector<1000x128xf32>
    %add3A_91 = arith.addf %dot_general3A_86, %add3A_90 : vector<1000x128xf32>
    %swap3A_92 = arith.constant 0 : index
    %swap3A_93 = arith.constant 0 : index
    %swap3A_94 = vector.load %arg27[%swap3A_92, %swap3A_93] : memref<1000x128xf32, #tpu.memory_space<vmem>>, vector<1000x128xf32>
    tpu.vector_store %arg27[%swap3A_92, %swap3A_93], %add3A_91 {strides = array<i32>} : memref<1000x128xf32, #tpu.memory_space<vmem>>, vector<1000x128xf32>,
    %get3A_95 = arith.constant 0 : index
    %get3A_96 = arith.constant 0 : index
    %get3A_97 = vector.load %arg16[%get3A_95, %get3A_96] : memref<384x512xf32, #tpu.memory_space<vmem>>, vector<128x512xf32>
    %dot_general3A_98 = arith.constant dense<0.000000e+00> : vector<1000x512xf32>
    %dot_general3A_99 = tpu.matmul %add3A_34, %get3A_97, %dot_general3A_98 {dimension_numbers = #tpu.dot_dimension_numbers<[1], [0], [0], [1], [0, 0, 1, 1], [], []>, transpose_lhs_hint = false} : vector<1000x128xf32>, vector<128x512xf32>, vector<1000x512xf32> -> vector<1000x512xf32>
    %get3A_100 = arith.constant 128 : index
    %get3A_101 = arith.constant 0 : index
    %get3A_102 = vector.load %arg16[%get3A_100, %get3A_101] : memref<384x512xf32, #tpu.memory_space<vmem>>, vector<128x512xf32>
    %dot_general3A_103 = arith.constant dense<0.000000e+00> : vector<1000x512xf32>
    %dot_general3A_104 = tpu.matmul %add3A_48, %get3A_102, %dot_general3A_103 {dimension_numbers = #tpu.dot_dimension_numbers<[1], [0], [0], [1], [0, 0, 1, 1], [], []>, transpose_lhs_hint = false} : vector<1000x128xf32>, vector<128x512xf32>, vector<1000x512xf32> -> vector<1000x512xf32>
    %add3A_105 = arith.addf %dot_general3A_99, %dot_general3A_104 : vector<1000x512xf32>
    %get3A_106 = arith.constant 256 : index
    %get3A_107 = arith.constant 0 : index
    %get3A_108 = vector.load %arg16[%get3A_106, %get3A_107] : memref<384x512xf32, #tpu.memory_space<vmem>>, vector<128x512xf32>
    %dot_general3A_109 = arith.constant dense<0.000000e+00> : vector<1000x512xf32>
    %dot_general3A_110 = tpu.matmul %add3A_91, %get3A_108, %dot_general3A_109 {dimension_numbers = #tpu.dot_dimension_numbers<[1], [0], [0], [1], [0, 0, 1, 1], [], []>, transpose_lhs_hint = false} : vector<1000x128xf32>, vector<128x512xf32>, vector<1000x512xf32> -> vector<1000x512xf32>
    %add3A_111 = arith.addf %add3A_105, %dot_general3A_110 : vector<1000x512xf32>
    %get3A_112 = arith.constant 0 : index
    %get3A_113 = arith.constant 0 : index
    %get3A_114 = vector.load %arg17[%get3A_112, %get3A_113] : memref<1x512xf32, #tpu.memory_space<vmem>>, vector<1x512xf32>
    %add3A_115 = vector.broadcast %get3A_114 : vector<1x512xf32> to vector<1000x512xf32>
    %add3A_116 = arith.addf %add3A_111, %add3A_115 : vector<1000x512xf32>
    %exp3A = math.exp %add3A_116 : vector<1000x512xf32>
    %swap3A_117 = arith.constant 0 : index
    %swap3A_118 = arith.constant 0 : index
    %swap3A_119 = vector.load %arg28[%swap3A_117, %swap3A_118] : memref<1000x512xf32, #tpu.memory_space<vmem>>, vector<1000x512xf32>
    tpu.vector_store %arg28[%swap3A_117, %swap3A_118], %exp3A {strides = array<i32>} : memref<1000x512xf32, #tpu.memory_space<vmem>>, vector<1000x512xf32>,
    %get3A_120 = arith.constant 0 : index
    %get3A_121 = arith.constant 0 : index
    %get3A_122 = vector.load %arg18[%get3A_120, %get3A_121] : memref<384x512xf32, #tpu.memory_space<vmem>>, vector<128x512xf32>
    %dot_general3A_123 = arith.constant dense<0.000000e+00> : vector<1000x512xf32>
    %dot_general3A_124 = tpu.matmul %add3A_34, %get3A_122, %dot_general3A_123 {dimension_numbers = #tpu.dot_dimension_numbers<[1], [0], [0], [1], [0, 0, 1, 1], [], []>, transpose_lhs_hint = false} : vector<1000x128xf32>, vector<128x512xf32>, vector<1000x512xf32> -> vector<1000x512xf32>
    %get3A_125 = arith.constant 128 : index
    %get3A_126 = arith.constant 0 : index
    %get3A_127 = vector.load %arg18[%get3A_125, %get3A_126] : memref<384x512xf32, #tpu.memory_space<vmem>>, vector<128x512xf32>
    %dot_general3A_128 = arith.constant dense<0.000000e+00> : vector<1000x512xf32>
    %dot_general3A_129 = tpu.matmul %add3A_48, %get3A_127, %dot_general3A_128 {dimension_numbers = #tpu.dot_dimension_numbers<[1], [0], [0], [1], [0, 0, 1, 1], [], []>, transpose_lhs_hint = false} : vector<1000x128xf32>, vector<128x512xf32>, vector<1000x512xf32> -> vector<1000x512xf32>
    %add3A_130 = arith.addf %dot_general3A_124, %dot_general3A_129 : vector<1000x512xf32>
    %get3A_131 = arith.constant 256 : index
    %get3A_132 = arith.constant 0 : index
    %get3A_133 = vector.load %arg18[%get3A_131, %get3A_132] : memref<384x512xf32, #tpu.memory_space<vmem>>, vector<128x512xf32>
    %dot_general3A_134 = arith.constant dense<0.000000e+00> : vector<1000x512xf32>
    %dot_general3A_135 = tpu.matmul %add3A_91, %get3A_133, %dot_general3A_134 {dimension_numbers = #tpu.dot_dimension_numbers<[1], [0], [0], [1], [0, 0, 1, 1], [], []>, transpose_lhs_hint = false} : vector<1000x128xf32>, vector<128x512xf32>, vector<1000x512xf32> -> vector<1000x512xf32>
    %add3A_136 = arith.addf %add3A_130, %dot_general3A_135 : vector<1000x512xf32>
    %get3A_137 = arith.constant 0 : index
    %get3A_138 = arith.constant 0 : index
    %get3A_139 = vector.load %arg19[%get3A_137, %get3A_138] : memref<1x512xf32, #tpu.memory_space<vmem>>, vector<1x512xf32>
    %add3A_140 = vector.broadcast %get3A_139 : vector<1x512xf32> to vector<1000x512xf32>
    %add3A_141 = arith.addf %add3A_136, %add3A_140 : vector<1000x512xf32>
    %swap3A_142 = arith.constant 0 : index
    %swap3A_143 = arith.constant 0 : index
    %swap3A_144 = vector.load %arg30[%swap3A_142, %swap3A_143] : memref<1000x512xf32, #tpu.memory_space<vmem>>, vector<1000x512xf32>
    tpu.vector_store %arg30[%swap3A_142, %swap3A_143], %add3A_141 {strides = array<i32>} : memref<1000x512xf32, #tpu.memory_space<vmem>>, vector<1000x512xf32>,
    %get3A_145 = arith.constant 0 : index
    %get3A_146 = arith.constant 0 : index
    %get3A_147 = vector.load %arg20[%get3A_145, %get3A_146] : memref<1x512xf32, #tpu.memory_space<vmem>>, vector<1x512xf32>
    %exp3A_148 = math.exp %get3A_147 : vector<1x512xf32>
    %swap3A_149 = arith.constant 0 : index
    %swap3A_150 = arith.constant 0 : index
    %swap3A_151 = vector.load %arg29[%swap3A_149, %swap3A_150] : memref<1x512xf32, #tpu.memory_space<vmem>>, vector<1x512xf32>
    tpu.vector_store %arg29[%swap3A_149, %swap3A_150], %exp3A_148 {strides = array<i32>} : memref<1x512xf32, #tpu.memory_space<vmem>>, vector<1x512xf32>,
    %get3A_152 = arith.constant 0 : index
    %get3A_153 = arith.constant 0 : index
    %get3A_154 = vector.load %arg21[%get3A_152, %get3A_153] : memref<128x8xf32, #tpu.memory_space<vmem>>, vector<128x8xf32>
    %dot_general3A_155 = arith.constant dense<0.000000e+00> : vector<1000x8xf32>
    %dot_general3A_156 = tpu.matmul %add3A_34, %get3A_154, %dot_general3A_155 {dimension_numbers = #tpu.dot_dimension_numbers<[1], [0], [0], [1], [0, 0, 1, 1], [], []>, transpose_lhs_hint = false} : vector<1000x128xf32>, vector<128x8xf32>, vector<1000x8xf32> -> vector<1000x8xf32>
    %get3A_157 = arith.constant 0 : index
    %get3A_158 = arith.constant 0 : index
    %get3A_159 = vector.load %arg22[%get3A_157, %get3A_158] : memref<1x8xf32, #tpu.memory_space<vmem>>, vector<1x8xf32>
    %add3A_160 = vector.broadcast %get3A_159 : vector<1x8xf32> to vector<1000x8xf32>
    %add3A_161 = arith.addf %dot_general3A_156, %add3A_160 : vector<1000x8xf32>
    %swap3A_162 = arith.constant 0 : index
    %swap3A_163 = arith.constant 0 : index
    %swap3A_164 = vector.load %arg31[%swap3A_162, %swap3A_163] : memref<1000x8xf32, #tpu.memory_space<vmem>>, vector<1000x8xf32>
    tpu.vector_store %arg31[%swap3A_162, %swap3A_163], %add3A_161 {strides = array<i32>} : memref<1000x8xf32, #tpu.memory_space<vmem>>, vector<1000x8xf32>,
    %get3A_165 = arith.constant 0 : index
    %get3A_166 = arith.constant 0 : index
    %get3A_167 = vector.load %arg23[%get3A_165, %get3A_166] : memref<128x16xf32, #tpu.memory_space<vmem>>, vector<128x16xf32>
    %dot_general3A_168 = arith.constant dense<0.000000e+00> : vector<1000x16xf32>
    %dot_general3A_169 = tpu.matmul %add3A_48, %get3A_167, %dot_general3A_168 {dimension_numbers = #tpu.dot_dimension_numbers<[1], [0], [0], [1], [0, 0, 1, 1], [], []>, transpose_lhs_hint = false} : vector<1000x128xf32>, vector<128x16xf32>, vector<1000x16xf32> -> vector<1000x16xf32>
    %get3A_170 = arith.constant 0 : index
    %get3A_171 = arith.constant 0 : index
    %get3A_172 = vector.load %arg24[%get3A_170, %get3A_171] : memref<1x16xf32, #tpu.memory_space<vmem>>, vector<1x16xf32>
    %add3A_173 = vector.broadcast %get3A_172 : vector<1x16xf32> to vector<1000x16xf32>
    %add3A_174 = arith.addf %dot_general3A_169, %add3A_173 : vector<1000x16xf32>
    %swap3A_175 = arith.constant 0 : index
    %swap3A_176 = arith.constant 0 : index
    %swap3A_177 = vector.load %arg32[%swap3A_175, %swap3A_176] : memref<1000x16xf32, #tpu.memory_space<vmem>>, vector<1000x16xf32>
    tpu.vector_store %arg32[%swap3A_175, %swap3A_176], %add3A_174 {strides = array<i32>} : memref<1000x16xf32, #tpu.memory_space<vmem>>, vector<1000x16xf32>,
    return
  }
  func.func @transform_0(%arg0: i32) -> (i32, i32) {
    %c0_i32 = arith.constant 0 : i32
    %c0_i32_0 = arith.constant 0 : i32
    return %arg0, %c0_i32 : i32, i32
  }
  func.func @transform_1(%arg0: i32) -> (i32, i32) {
    %c0_i32 = arith.constant 0 : i32
    %c0_i32_0 = arith.constant 0 : i32
    return %arg0, %c0_i32 : i32, i32
  }
  func.func @transform_2(%arg0: i32) -> (i32, i32) {
    %c0_i32 = arith.constant 0 : i32
    %c0_i32_0 = arith.constant 0 : i32
    return %arg0, %c0_i32 : i32, i32
  }
  func.func @transform_3(%arg0: i32) -> (i32, i32) {
    %c0_i32 = arith.constant 0 : i32
    %c0_i32_0 = arith.constant 0 : i32
    return %arg0, %c0_i32 : i32, i32
  }
  func.func @transform_4(%arg0: i32) -> (i32, i32) {
    %c0_i32 = arith.constant 0 : i32
    %c0_i32_0 = arith.constant 0 : i32
    return %arg0, %c0_i32 : i32, i32
  }
  func.func @transform_5(%arg0: i32) -> (i32, i32) {
    %c0_i32 = arith.constant 0 : i32
    %c0_i32_0 = arith.constant 0 : i32
    return %arg0, %c0_i32 : i32, i32
  }
  func.func @transform_6(%arg0: i32) -> (i32, i32) {
    %c0_i32 = arith.constant 0 : i32
    %c0_i32_0 = arith.constant 0 : i32
    return %arg0, %c0_i32 : i32, i32
  }
  func.func @transform_7(%arg0: i32) -> (i32, i32) {
    %c0_i32 = arith.constant 0 : i32
    %c0_i32_0 = arith.constant 0 : i32
    %c0_i32_1 = arith.constant 0 : i32
    return %c0_i32, %c0_i32_0 : i32, i32
  }
  func.func @transform_8(%arg0: i32) -> (i32, i32) {
    %c0_i32 = arith.constant 0 : i32
    %c0_i32_0 = arith.constant 0 : i32
    %c0_i32_1 = arith.constant 0 : i32
    return %c0_i32, %c0_i32_0 : i32, i32
  }
  func.func @transform_9(%arg0: i32) -> (i32, i32) {
    %c0_i32 = arith.constant 0 : i32
    %c0_i32_0 = arith.constant 0 : i32
    %c0_i32_1 = arith.constant 0 : i32
    return %c0_i32, %c0_i32_0 : i32, i32
  }
  func.func @transform_10(%arg0: i32) -> (i32, i32) {
    %c0_i32 = arith.constant 0 : i32
    %c0_i32_0 = arith.constant 0 : i32
    %c0_i32_1 = arith.constant 0 : i32
    return %c0_i32, %c0_i32_0 : i32, i32
  }
  func.func @transform_11(%arg0: i32) -> (i32, i32) {
    %c0_i32 = arith.constant 0 : i32
    %c0_i32_0 = arith.constant 0 : i32
    %c0_i32_1 = arith.constant 0 : i32
    return %c0_i32, %c0_i32_0 : i32, i32
  }
  func.func @transform_12(%arg0: i32) -> (i32, i32) {
    %c0_i32 = arith.constant 0 : i32
    %c0_i32_0 = arith.constant 0 : i32
    %c0_i32_1 = arith.constant 0 : i32
    return %c0_i32, %c0_i32_0 : i32, i32
  }
  func.func @transform_13(%arg0: i32) -> (i32, i32) {
    %c0_i32 = arith.constant 0 : i32
    %c0_i32_0 = arith.constant 0 : i32
    %c0_i32_1 = arith.constant 0 : i32
    return %c0_i32, %c0_i32_0 : i32, i32
  }
  func.func @transform_14(%arg0: i32) -> (i32, i32) {
    %c0_i32 = arith.constant 0 : i32
    %c0_i32_0 = arith.constant 0 : i32
    %c0_i32_1 = arith.constant 0 : i32
    return %c0_i32, %c0_i32_0 : i32, i32
  }
  func.func @transform_15(%arg0: i32) -> (i32, i32) {
    %c0_i32 = arith.constant 0 : i32
    %c0_i32_0 = arith.constant 0 : i32
    %c0_i32_1 = arith.constant 0 : i32
    return %c0_i32, %c0_i32_0 : i32, i32
  }
  func.func @transform_16(%arg0: i32) -> (i32, i32) {
    %c0_i32 = arith.constant 0 : i32
    %c0_i32_0 = arith.constant 0 : i32
    %c0_i32_1 = arith.constant 0 : i32
    return %c0_i32, %c0_i32_0 : i32, i32
  }
  func.func @transform_17(%arg0: i32) -> (i32, i32) {
    %c0_i32 = arith.constant 0 : i32
    %c0_i32_0 = arith.constant 0 : i32
    %c0_i32_1 = arith.constant 0 : i32
    return %c0_i32, %c0_i32_0 : i32, i32
  }
  func.func @transform_18(%arg0: i32) -> (i32, i32) {
    %c0_i32 = arith.constant 0 : i32
    %c0_i32_0 = arith.constant 0 : i32
    %c0_i32_1 = arith.constant 0 : i32
    return %c0_i32, %c0_i32_0 : i32, i32
  }
  func.func @transform_19(%arg0: i32) -> (i32, i32) {
    %c0_i32 = arith.constant 0 : i32
    %c0_i32_0 = arith.constant 0 : i32
    %c0_i32_1 = arith.constant 0 : i32
    return %c0_i32, %c0_i32_0 : i32, i32
  }
  func.func @transform_20(%arg0: i32) -> (i32, i32) {
    %c0_i32 = arith.constant 0 : i32
    %c0_i32_0 = arith.constant 0 : i32
    %c0_i32_1 = arith.constant 0 : i32
    return %c0_i32, %c0_i32_0 : i32, i32
  }
  func.func @transform_21(%arg0: i32) -> (i32, i32) {
    %c0_i32 = arith.constant 0 : i32
    %c0_i32_0 = arith.constant 0 : i32
    %c0_i32_1 = arith.constant 0 : i32
    return %c0_i32, %c0_i32_0 : i32, i32
  }
  func.func @transform_22(%arg0: i32) -> (i32, i32) {
    %c0_i32 = arith.constant 0 : i32
    %c0_i32_0 = arith.constant 0 : i32
    %c0_i32_1 = arith.constant 0 : i32
    return %c0_i32, %c0_i32_0 : i32, i32
  }
  func.func @transform_23(%arg0: i32) -> (i32, i32) {
    %c0_i32 = arith.constant 0 : i32
    %c0_i32_0 = arith.constant 0 : i32
    %c0_i32_1 = arith.constant 0 : i32
    return %c0_i32, %c0_i32_0 : i32, i32
  }
  func.func @transform_24(%arg0: i32) -> (i32, i32) {
    %c0_i32 = arith.constant 0 : i32
    %c0_i32_0 = arith.constant 0 : i32
    return %arg0, %c0_i32 : i32, i32
  }
  func.func @transform_25(%arg0: i32) -> (i32, i32) {
    %c0_i32 = arith.constant 0 : i32
    %c0_i32_0 = arith.constant 0 : i32
    return %arg0, %c0_i32 : i32, i32
  }
  func.func @transform_26(%arg0: i32) -> (i32, i32) {
    %c0_i32 = arith.constant 0 : i32
    %c0_i32_0 = arith.constant 0 : i32
    return %arg0, %c0_i32 : i32, i32
  }
  func.func @transform_27(%arg0: i32) -> (i32, i32) {
    %c0_i32 = arith.constant 0 : i32
    %c0_i32_0 = arith.constant 0 : i32
    return %arg0, %c0_i32 : i32, i32
  }
  func.func @transform_28(%arg0: i32) -> (i32, i32) {
    %c0_i32 = arith.constant 0 : i32
    %c0_i32_0 = arith.constant 0 : i32
    %c0_i32_1 = arith.constant 0 : i32
    return %c0_i32, %c0_i32_0 : i32, i32
  }
  func.func @transform_29(%arg0: i32) -> (i32, i32) {
    %c0_i32 = arith.constant 0 : i32
    %c0_i32_0 = arith.constant 0 : i32
    return %arg0, %c0_i32 : i32, i32
  }
  func.func @transform_30(%arg0: i32) -> (i32, i32) {
    %c0_i32 = arith.constant 0 : i32
    %c0_i32_0 = arith.constant 0 : i32
    return %arg0, %c0_i32 : i32, i32
  }
  func.func @transform_31(%arg0: i32) -> (i32, i32) {
    %c0_i32 = arith.constant 0 : i32
    %c0_i32_0 = arith.constant 0 : i32
    return %arg0, %c0_i32 : i32, i32
  }
}

</mosaic_0001>

<sc_bundles>
// kernel: kernel.7.cloned.1.call-start
scs
__scs_entry_jumppad:
0x0: {  	(pc) =	sbr.rel $0x88, $3  }
0x1: {  	(tag) =	ssettag $0x0;
	lr =	simm.s32 $0x1  }
0x2: {  	[smem:$0x3F83] =	sst lr;
	_ =	strace $0xD0000000  }
0x3: {  	_ = 	snop  }
0x4: {  	_ = 	snop  }
0x5: {  	_ = 	snop  }
0x6: {  	_ = 	snop  }
0x7: {  	_ = 	snop  }
__scs_overlays_trampoline_lowered:
0x8: {  	[smem:$0x3F92] =	sst s0  }
0x9: {  	[smem:$0x3F93] =	sst s1  }
0xa: {  	[smem:$0x3F94] =	sst s2  }
0xb: {  	[smem:$0x3F95] =	sst s3  }
0xc: {  	[smem:$0x3F96] =	sst s4  }
0xd: {  	[smem:$0x3F97] =	sst s5  }
0xe: {  	[smem:$0x3F98] =	sst s6  }
0xf: {  	[smem:$0x3F99] =	sst s7  }
0x10: {  	[smem:$0x3F9A] =	sst s8  }
0x11: {  	[smem:$0x3F9B] =	sst s9;
	s0 =	simm.s32 @!p0 $0x0  }
0x12: {  	s1 =	sld [smem:$0x3F81];
	s0 =	simm.s32 @p0 $0x1  }
0x13: {  	[smem:$0x3F9C] =	sst s0;
	s0 =	simm.s32 @!p1 $0x0  }
0x14: {  	s2 =	sld [smem:$0x3F80];
	s0 =	simm.s32 @p1 $0x1  }
0x15: {  	[smem:$0x3F9D] =	sst s0;
	s0 =	simm.s32 @!p2 $0x0  }
0x16: {  	s3 =	sld [smem:$0x3FDB];
	s0 =	simm.s32 @p2 $0x1  }
0x17: {  	s4 =	simm.s32 $0x1BF5;
	[smem:$0x3F9F] =	sst s0  }
0x18: {  	s0 =	sld [smem:$0x3F82];
	_ =	swait.ge [sflag:s4], $0x0  }
0x19: {  	s7 =	sld [smem:$0x3F83]  }
0x1a: {  	s8 =	sadd.s32 $0xFFFFE003, lr  }
0x1b: {  	s9 =	sadd.s32 $0xFFFFFEF7, lr;
	s5 =	simm.s32 $0xFFFFFFFF;
	p2 =	slt.u32 s8, $0xFFFFF086  }
0x1c: {  	p1 =	slt.u32 s9, $0xF7A;
	s5 =	simm.s32 @!p2 $0x0  }
0x1d: {  	s5 =	simm.s32 @p1 $0x1;
	p0 =	seq.s32 s7, s2  }
0x1e: {  	s7 =	smul.u32 @!p0 $0xF7A, s2;
	p2 =	seq.s32 @!p0 s5, $0x0  }
0x1f: {  	s9 =	smul.u32 $0xF7A, s1;
	s8 =	simm.s32 @!p0 $0x1BF5;
	p2 =	por !p2, p0  }
0x20: {  	[sflag:s8] =	ssyncset.s32 @!p0 $0xFFFFF086;
	s6 =	sadd.s32 @!p0 s3, s7;
	s7 =	simm.s32 @!p0 $0x108  }
0x21: {  	s3 =	sadd.s32 s3, s9;
	s6 =	sadd.s32 @!p0 $0x88, s6;
	s7 =	simm.s32 @p2 $0x1082  }
0x22: {  	[simem:s7], [sflag:s8] =	dma.local @!p0 [hbm:s6], $0xF7A  }
0x23: {  	s9 =	sor.u32 $0xD0000000, s2;
	s6 =	simm.s32 $0x108;
	_ =	swait.ge @!p0 [sflag:s8], $0x0  }
0x24: {  	s3 =	sadd.s32 $0x88, s3;
	s6 =	simm.s32 @!p1 $0x1082;
	[sflag:s4] =	ssyncset.s32 $0xFFFFF086  }
0x25: {  	[simem:s6], [sflag:s4] =	dma.local [hbm:s3], $0xF7A  }
0x26: {  	[smem:$0x3F83] =	sst s1;
	(tag) =	ssettag s2;
	_ =	strace s9  }
0x27: {  	s1 =	sld [smem:$0x3F93]  }
0x28: {  	s2 =	sld [smem:$0x3F94]  }
0x29: {  	s4 =	sld [smem:$0x3F96]  }
0x2a: {  	p0 =	seq.s32 s5, $0x0;
	s5 =	sld [smem:$0x3F97]  }
0x2b: {  	s6 =	sld [smem:$0x3F98]  }
0x2c: {  	s7 =	sld [smem:$0x3F99]  }
0x2d: {  	s3 =	simm.s32 $0x108;
	s8 =	sld [smem:$0x3F9A]  }
0x2e: {  	s3 =	simm.s32 @!p0 $0x1082;
	s9 =	sld [smem:$0x3F9B]  }
0x2f: {  	lr =	sadd.s32 s0, s3;
	s0 =	sld [smem:$0x3F92]  }
0x30: {  	s3 =	sld [smem:$0x3F95]  }
0x31: {  	[smem:$0x3F9E] =	sst s10  }
0x32: {  	s10 =	sld [smem:$0x3F9C];
	_ =	sdelay $0x3  }
0x33: {  	p0 =	seq.s32 s10, $0x1;
	s10 =	sld [smem:$0x3F9E];
	_ =	sdelay $0x3  }
0x34: {  	[smem:$0x3F9E] =	sst s10  }
0x35: {  	s10 =	sld [smem:$0x3F9D];
	_ =	sdelay $0x3  }
0x36: {  	p1 =	seq.s32 s10, $0x1;
	s10 =	sld [smem:$0x3F9E];
	_ =	sdelay $0x3  }
0x37: {  	[smem:$0x3F9E] =	sst s10  }
0x38: {  	s10 =	sld [smem:$0x3F9F]  }
0x39: {  	_ = 	snop;
	(pc) =	sbr.ind lr, $3  }
0x3a: {  	_ = 	snop  }
0x3b: {  	_ = 	snop  }
0x3c: {  	p2 =	seq.s32 s10, $0x1;
	s10 =	sld [smem:$0x3F9E]  }
0x3d: {  	_ =	shalt  }
0x3e: {  	_ =	shalt  }
0x3f: {  	_ =	shalt  }
0x40: {  	_ =	shalt  }
0x41: {  	_ =	shalt  }
0x42: {  	_ =	shalt  }
0x43: {  	_ =	shalt  }
0x44: {  	_ =	shalt  }
0x45: {  	_ =	shalt  }
0x46: {  	_ =	shalt  }
0x47: {  	_ =	shalt  }
0x48: {  	_ =	shalt  }
0x49: {  	_ =	shalt  }
0x4a: {  	_ =	shalt  }
0x4b: {  	_ =	shalt  }
0x4c: {  	_ =	shalt  }
0x4d: {  	_ =	shalt  }
0x4e: {  	_ =	shalt  }
0x4f: {  	_ =	shalt  }
0x50: {  	_ =	shalt  }
0x51: {  	_ =	shalt  }
0x52: {  	_ =	shalt  }
0x53: {  	_ =	shalt  }
0x54: {  	_ =	shalt  }
0x55: {  	_ =	shalt  }
0x56: {  	_ =	shalt  }
0x57: {  	_ =	shalt  }
0x58: {  	_ =	shalt  }
0x59: {  	_ =	shalt  }
0x5a: {  	_ =	shalt  }
0x5b: {  	_ =	shalt  }
0x5c: {  	_ =	shalt  }
0x5d: {  	_ =	shalt  }
0x5e: {  	_ =	shalt  }
0x5f: {  	_ =	shalt  }
0x60: {  	_ =	shalt  }
0x61: {  	_ =	shalt  }
0x62: {  	_ =	shalt  }
0x63: {  	_ =	shalt  }
0x64: {  	_ =	shalt  }
0x65: {  	_ =	shalt  }
0x66: {  	_ =	shalt  }
0x67: {  	_ =	shalt  }
0x68: {  	_ =	shalt  }
0x69: {  	_ =	shalt  }
0x6a: {  	_ =	shalt  }
0x6b: {  	_ =	shalt  }
0x6c: {  	_ =	shalt  }
0x6d: {  	_ =	shalt  }
0x6e: {  	_ =	shalt  }
0x6f: {  	_ =	shalt  }
0x70: {  	_ =	shalt  }
0x71: {  	_ =	shalt  }
0x72: {  	_ =	shalt  }
0x73: {  	_ =	shalt  }
0x74: {  	_ =	shalt  }
0x75: {  	_ =	shalt  }
0x76: {  	_ =	shalt  }
0x77: {  	_ =	shalt  }
0x78: {  	_ =	shalt  }
0x79: {  	_ =	shalt  }
0x7a: {  	_ =	shalt  }
0x7b: {  	_ =	shalt  }
0x7c: {  	_ =	shalt  }
0x7d: {  	_ =	shalt  }
0x7e: {  	_ =	shalt  }
0x7f: {  	_ =	shalt  }
0x80: {  	_ =	shalt  }
0x81: {  	_ =	shalt  }
0x82: {  	_ =	shalt  }
0x83: {  	_ =	shalt  }
0x84: {  	_ =	shalt  }
0x85: {  	_ =	shalt  }
0x86: {  	_ =	shalt  }
0x87: {  	_ =	shalt  }
.Lfunc_end0:
.L_simem_size_0:
called_computation_lowered:
.L_overlay_start_0:
0x88: {  	s2 =	sld [smem:$0x3FD9]  }
0x89: {  	s3 =	sld [smem:$0x3FFE];
	_ =	sdelay $0x1  }
0x8a: {  	s1 =	srdreg.scid  }
0x8b: {  	s0 =	sand.u32 $0x1, s1  }
0x8c: {  	s14 =	sshll.u32 s0, $0xA;
	s2 =	sadd.s32 s3, s2  }
0x8d: {  	s2 =	sadd.s32 s2, s14  }
0x8e: {  	[smem:$0x3FAA] =	sst s2  }
0x8f: {  	_ = 	snop  }
0x90: {  	s2 =	sld [smem:$0x3FD0];
	_ =	sdelay $0x2  }
0x91: {  	s15 =	simm.s32 $0xA;
	s4 =	simm.s32 $0x10  }
0x92: {  	[smem:s4], [sflag:s15] =	dma.local [hbm:s2], $0x1  }
0x93: {  	_ =	swait.eq [sflag:s15], $0x1  }
0x94: {  	s16 =	sld [smem:$0x10]  }
0x95: {  	s17 =	sld [smem:$0x11]  }
0x96: {  	s5 =	sld [smem:$0x12]  }
0x97: {  	s6 =	sld [smem:$0x13];
	[sflag:s15] =	ssyncset.done $0x0  }
0x98: {  	s7 =	sld [smem:$0x14];
	[sflag:s15] =	ssyncadd.s32 $0xFFFFFFFF  }
0x99: {  	s18 =	sld [smem:$0x16];
	(tm) =	ssettm $0x1  }
0x9a: {  	s8 =	sld [smem:$0x3FFB];
	_ =	sdelay $0x3  }
0x9b: {  	_ =	strace s8  }
0x9c: {  	s8 =	sld [smem:$0x3FFC];
	_ =	sdelay $0x3  }
0x9d: {  	_ =	strace s8  }
0x9e: {  	s8 =	sld [smem:$0x3FFD];
	_ =	sdelay $0x3  }
0x9f: {  	_ =	strace s8  }
0xa0: {  	_ =	strace $0x8FFFFFFF  }
0xa1: {  	s19 =	sld [smem:$0x3FDB];
	_ =	sdelay $0x1  }
0xa2: {  	s9 =	simm.s32 $_scs_section_size  }
0xa3: {  	s10 =	simm.s32 $_size__tile_overlayer_lowered;
	s11 =	simm.s32 $_tile_overlayer_lowered  }
0xa4: {  	s22 =	simm.s32 $0x1BFF;
	s21 =	sshll.u32 s11, $0x1;
	s8 =	sadd.s32 s9, s19  }
0xa5: {  	s12 =	simm.s32 $0x0;
	s20 =	sshll.u32 s10, $0x1;
	s10 =	sadd.s32 s21, s8  }
0xa6: {  	[timem:s12], [sflag:s22] =	dma.local [hbm:s10], s20  }
0xa7: {  	_ =	swait.ge [sflag:s22], s20  }
0xa8: {  	s9 =	ssub.s32 $0x0, s20;
	[sflag:s22] =	ssyncset.done $0x0  }
0xa9: {  	[sflag:s22] =	ssyncadd.s32 s9;
	_ =	sdelay $0x1  }
0xaa: {  	s23 =	simm.s32 $0x1B8B  }
0xab: {  	_ =	swait.ge [sflag:s23], $0x1  }
0xac: {  	[sflag:s23] =	ssyncset.done $0x0  }
0xad: {  	s25 =	simm.s32 $0x1B8E;
	s24 =	sld [smem:$0x3FFE];
	[sflag:s23] =	ssyncadd.s32 $0xFFFFFFFF  }
0xae: {  	s26 =	simm.s32 $execute0_lowered;
	[smem:$0x3FD2] =	sst s25  }
0xaf: {  	s10 =	sshll.u32 s26, $0x1;
	_ =	strace $0x80000046;
	[dreg:$0x1] =	wrdreg $0xFFFFFFFF  }
0xb0: {  	s28 =	simm.s32 $_size_execute0_lowered;
	s8 =	sadd.s32 s8, s10;
	[dreg:$0x0] =	wrdreg $0x0  }
0xb1: {  	s10 =	sshll.u32 s28, $0x1;
	[dreg:$0x2] =	wrdreg s8  }
0xb2: {  	[dreg:$0x3] =	wrdreg s10  }
0xb3: {  	[dreg:$0x4] =	wrdreg $0xC0  }
0xb4: {  	_ =	task [dreg:s12], $0x5FFFF  }
0xb5: {  	[dreg:$0x1] =	wrdreg $0xFFFFFFFF  }
0xb6: {  	[dreg:$0x0] =	wrdreg $0x60  }
0xb7: {  	[dreg:$0x2] =	wrdreg s16  }
0xb8: {  	[dreg:$0x3] =	wrdreg s5  }
0xb9: {  	[dreg:$0x4] =	wrdreg s17  }
0xba: {  	[dreg:$0x5] =	wrdreg s6  }
0xbb: {  	[dreg:$0x6] =	wrdreg s7  }
0xbc: {  	[dreg:$0x7] =	wrdreg s18  }
0xbd: {  	[dreg:$0x8] =	wrdreg s24  }
0xbe: {  	[dreg:$0x9] =	wrdreg $0xAA000  }
0xbf: {  	[dreg:$0xa] =	wrdreg $0x9  }
0xc0: {  	_ =	task.clear_ibuf [dreg:s12], $0xBFFFF;
	_ =	strace $0x90000046  }
0xc1: {  	s29 =	simm.s32 $0x9;
	_ =	strace $0x80000048  }
0xc2: {  	_ =	swait.ge [sflag:s29], $0x1  }
0xc3: {  	[sflag:s29] =	ssyncadd.s32 $0xFFFFFFFF  }
0xc4: {  	_ =	strace $0x90000048  }
0xc5: {  	_ =	sfence  }
0xc6: {  	s30 =	sld [smem:$0x0];
	_ =	sdelay $0x2  }
0xc7: {  	s31 =	sshll.u32 s1, $0xD;
	s1 =	sshrl.u32 s1, $0x2  }
0xc8: {  	s3 =	sand.u32 $0x4000, s31;
	s1 =	sadd.s32 s1, s30  }
0xc9: {  	s0 =	sor.u32 s3, s0;
	s1 =	sshll.u32 s1, $0x11  }
0xca: {  	s0 =	sor.u32 s1, s0  }
0xcb: {  	s0 =	sadd.s32 $0x8F2B, s0  }
0xcc: {  	[sflag:s0] =	ssyncadd.remote.s32 $0x1  }
0xcd: {  	_ =	sfence.sel $0xFFFF  }
0xce: {  	[dreg:$0x0] =	wrdreg $0xFFFFFFFF;
	(pc) =	sbr.abs _section_cstart, $3  }
0xcf: {  	[dreg:$0x1] =	wrdreg $0xFFFFFFFF  }
0xd0: {  	_ =	task.clear_ibuf [dreg:s12], $0x2FFFF;
	_ =	strace $0x9FFFFFFF  }
0xd1: {  	(tm) =	ssettm $0x7FFFFFFF  }
tec
execute0_lowered:
.L_overlay_start_1:
0x0: {  	(tag) =	ssettag $0x1  }
0x1: {  	s0 =	rddreg [dreg:$0x0]  }
0x2: {  	s2 =	rddreg [dreg:$0x1]  }
0x3: {  	s10 =	rddreg [dreg:$0x2]  }
0x4: {  	s11 =	rddreg [dreg:$0x3]  }
0x5: {  	s12 =	rddreg [dreg:$0x4]  }
0x6: {  	s1 =	srdreg.scid;
	s13 =	rddreg [dreg:$0x5]  }
0x7: {  	s5 =	rddreg [dreg:$0x6];
	s14 =	sand.u32 $0x1, s1;
	s1 =	stileid.u32  }
0x8: {  	s3 =	rddreg [dreg:$0x7];
	s28 =	simm.s32 $0x100;
	s7 =	smul.u32 $0x50000, s1  }
0x9: {  	s29 =	simm.s32 $0x1;
	s30 =	simm.s32 $0x80;
	s9 =	smul.u32 $0x5000, s1  }
0xa: {  	s31 =	simm.s32 $0x180;
	s4 =	sshll.u32 s14, $0x4;
	s16 =	smul.u32 $0x2800, s1  }
0xb: {  	s22 =	ssub.s32 $0x2, s14;
	p0 =	seq.s32 s14, $0x1;
	s14 =	smul.u32 $0x28000, s14  }
0xc: {  	s6 =	sor.u32 s1, s4;
	s4 =	simm.s32 $0x0;
	s24 =	sshrl.u32 s22, $0x1  }
0xd: {  	s6 =	smul.u32 $0x500, s6;
	[smem:$0x7FF] =	sst s4;
	s23 =	sshrl.u32 s7, $0x2  }
0xe: {  	s17 =	ssub.s32 s22, s24;
	s18 =	sshrl.u32 s9, $0x3;
	s14 =	sadd.s32 s16, s14  }
0xf: {  	s24 =	smul.u32 $0xA00, s1;
	_ =	strace $0x80000047;
	s26 =	sadd.s32 s2, s18  }
0x10: {  	s19 =	sadd.s32 s10, s18;
	s22 =	sadd.s32 s11, s18;
	s16 =	sadd.s32 s13, s14  }
0x11: {  	s13 =	simm.s32 $0x4;
	s14 =	simm.s32 $0x0;
	[dreg:$0xa] =	wrdreg s26  }
0x12: {  	s15 =	sadd.s32 s6, s5;
	s5 =	sadd.s32 s23, s3;
	[dreg:$0xb] =	wrdreg s19  }
0x13: {  	s19 =	sor.u32 $0x10, s18;
	[dreg:$0xe] =	wrdreg s22;
	s23 =	sadd.s32 s12, s18  }
0x14: {  	s22 =	sadd.s32 s24, s2;
	s25 =	sadd.s32 $0x4000, s5;
	s7 =	sadd.s32 $0x8000, s5  }
0x15: {  	s8 =	sadd.s32 $0xC000, s5;
	s9 =	sadd.s32 $0x10000, s5;
	[dreg:$0xf] =	wrdreg s23  }
0x16: {  	s20 =	sadd.s32 s2, s19;
	s21 =	sadd.s32 s10, s19;
	[dreg:$0x9] =	wrdreg s25  }
0x17: {  	s26 =	sadd.s32 s12, s19;
	s23 =	sadd.s32 s24, s12;
	[dreg:$0xc] =	wrdreg s20  }
.Ltmp0:
0x18: {  	s2 =	simm.s32 $0x2;
	[dreg:$0xd] =	wrdreg s21;
	(pc) =	sbr.rel .LBB2_1-.Ltmp0, $4  }
0x19: {  	s12 =	simm.s32 $0x8200;
	s25 =	sadd.s32 s11, s19;
	[dreg:$0x11] =	wrdreg s26  }
0x1a: {  	s19 =	sadd.s32 $0x2B600, s15;
	s20 =	smax.u32 s17, $0x1;
	s21 =	sadd.s32 s24, s10  }
0x1b: {  	s24 =	sadd.s32 s24, s11;
	s26 =	simm.s32 $0x5;
	s10 =	simm.s32 $0x4200  }
0x1c: {  	v0 =	vimm.f32 $0.0e+00;
	v1 =	vimm.f32 $1.000000000e+00;
	s11 =	simm.s32 $0x3;
	[dreg:$0x10] =	wrdreg s25;
	s25 =	simm.s32 $0x200  }
.LBB2_12:
0x1d: {  	v2 =	vld [tilespmem:$0x1E0];
	_ =	sdelay $0x7  }
0x1e: {  	[tilespmem:v2+s12+$0x0] =	vst.idx.add.f32.msk $0xffff, v1  }
0x1f: {  	v2 =	vld [tilespmem:$0x1F0];
	_ =	sdelay $0x6  }
0x20: {  	s1 =	stileid.u32  }
0x21: {  	s1 =	sshll.u32 s1, $0x6;
	[tilespmem:v2+s12+$0x0] =	vst.idx.add.f32.msk $0xffff, v1  }
0x22: {  	s6 =	sshrl.u32 s5, $0x3;
	s1 =	sor.u32 $0x1C05, s1;
	[bflag:$0x0] =	sbarrier.arrive $0xFFFF  }
0x23: {  	[hbm:s16], [sflag:s1] =	dma.local [spmem:s6], $0x2800  }
0x24: {  	s14 =	sadd.s32 $0x1, s14;
	_ =	swait.ge [sflag:s26], $0x2800  }
0x25: {  	p1 =	sne.s32 s14, s20;
	[sflag:s26] =	ssyncset.done $0x0  }
.Ltmp1:
0x26: {  	[sflag:s26] =	ssyncadd.s32 $0xFFFFD800;
	(pc) =	sbr.rel @!p1 .LBB2_13-.Ltmp1, $4  }
0x27: {  	[hbm4b:s19+s4] =	stream.linear.scatter [tilespmem:s12], [sflag:$0x5], $0x2800, $0x38;
	[tilespmem:$0x1EA00] =	vst v63  }
0x28: {  	_ =	swait.ge [sflag:s26], $0x2800  }
0x29: {  	[sflag:s26] =	ssyncset.done $0x0  }
0x2a: {  	[sflag:s26] =	ssyncadd.s32 $0xFFFFD800  }
.LBB2_1:
0x2b: {  	s15 =	simm.s32 $0x0  }
0x2c: {  	s17 =	sand.u32 $0xFFFFFF80, s15  }
0x2d: {  	s17 =	ssub.s32 $0x0, s17  }
0x2e: {  	s15 =	sand.u32 $0x3FFFFF80, s15;
	s17 =	sand.u32 $0xFFFFFF80, s17  }
0x2f: {  	s18 =	sand.u32 $0x70, s4;
	s17 =	sadd.s32 s17, s15  }
0x30: {  	s15 =	simm.s32 $0x1;
	s18 =	sor.u32 s18, s17;
	s17 =	simm.s32 $0x0  }
.LBB2_2:
0x31: {  	s1 =	sshll.u32 s15, $0x4;
	p1 =	sne.s32 s15, $0x3FF;
	s15 =	sadd.s32 $0x1, s15;
	[tilespmem:s18+$0x200] =	vst v0  }
.Ltmp2:
0x32: {  	s17 =	sadd.s32 $0x10, s17;
	s18 =	sand.u32 $0xFFFFFF80, s1;
	(pc) =	sbr.rel @p1 .LBB2_2-.Ltmp2, $4  }
0x33: {  	s18 =	ssub.s32 s17, s18  }
0x34: {  	s1 =	sand.u32 $0x3FFFFF80, s1;
	s18 =	sand.u32 $0xFFFFFF80, s18  }
0x35: {  	s6 =	sand.u32 $0x70, s17;
	s1 =	sadd.s32 s18, s1  }
0x36: {  	s18 =	sor.u32 s6, s1  }
0x37: {  	[tilespmem:s18+$0x200] =	vst v0;
	s15 =	simm.s32 $0x40;
	s17 =	simm.s32 $0x0  }
.LBB2_4:
0x38: {  	p1 =	sne.s32 s15, $0x9FC0;
	[tilespmem:s17+$0x8200] =	vst v0;
	s1 =	smov.u32 s15;
	s15 =	sadd.s32 $0x40, s15  }
.Ltmp3:
0x39: {  	(pc) =	sbr.rel @p1 .LBB2_4-.Ltmp3, $2  }
0x3a: {  	_ =	sdelay $0x2  }
0x3b: {  	s17 =	sshra.s32 s1, $0x2  }
0x3c: {  	[tilespmem:s17+$0x8200] =	vst v0  }
0x3d: {  	[spmem:s5] =	stream.linear.scatter [tilespmem:s25], [sflag:$0x5], $0x4000, $0x38;
	[tilespmem:$0x1EA00] =	vst v63  }
0x3e: {  	_ =	swait.ge [sflag:s26], $0x4000  }
0x3f: {  	[sflag:s26] =	ssyncset.done $0x0  }
0x40: {  	s1 =	rddreg [dreg:$0x9];
	[sflag:s26] =	ssyncadd.s32 $0xFFFFC000  }
0x41: {  	[spmem:s1] =	stream.linear.scatter [tilespmem:s25], [sflag:$0x5], $0x4000, $0x38;
	[tilespmem:$0x1EA00] =	vst v63  }
0x42: {  	_ =	swait.ge [sflag:s26], $0x4000  }
0x43: {  	[sflag:s26] =	ssyncset.done $0x0  }
0x44: {  	[sflag:s26] =	ssyncadd.s32 $0xFFFFC000  }
0x45: {  	[spmem:s7] =	stream.linear.scatter [tilespmem:s25], [sflag:$0x5], $0x4000, $0x38;
	[tilespmem:$0x1EA00] =	vst v63  }
0x46: {  	_ =	swait.ge [sflag:s26], $0x4000  }
0x47: {  	[sflag:s26] =	ssyncset.done $0x0  }
0x48: {  	[sflag:s26] =	ssyncadd.s32 $0xFFFFC000  }
0x49: {  	[spmem:s8] =	stream.linear.scatter [tilespmem:s25], [sflag:$0x5], $0x4000, $0x38;
	[tilespmem:$0x1EA00] =	vst v63  }
0x4a: {  	_ =	swait.ge [sflag:s26], $0x4000  }
0x4b: {  	[sflag:s26] =	ssyncset.done $0x0  }
0x4c: {  	[sflag:s26] =	ssyncadd.s32 $0xFFFFC000  }
0x4d: {  	[spmem:s9] =	stream.linear.scatter [tilespmem:s25], [sflag:$0x5], $0x4000, $0x38;
	[tilespmem:$0x1EA00] =	vst v63  }
.Ltmp4:
0x4e: {  	_ =	swait.ge [sflag:s26], $0x4000;
	(pc) =	sbr.rel @!p0 .LBB2_6-.Ltmp4, $3  }
0x4f: {  	[sflag:s26] =	ssyncset.done $0x0  }
0x50: {  	[sflag:s26] =	ssyncadd.s32 $0xFFFFC000  }
0x51: {  	[bflag:$0x0] =	sbarrier.arrive $0xFFFF;
	_ =	sdelay $0x1  }
0x52: {  	s1 =	rddreg [dreg:$0xe]  }
0x53: {  	[tilespmem:s4], [sflag:$0x1] =	stream.linear.gather [hbm4b:s1+s4], $0x80, $0x38;
	[tilespmem:$0x1EA00] =	vst v63  }
0x54: {  	s15 =	rddreg [dreg:$0xf]  }
0x55: {  	[tilespmem:s28], [sflag:$0x1] =	stream.linear.gather [hbm4b:s15+s4], $0x80, $0x38;
	[tilespmem:$0x1EA00] =	vst v63  }
0x56: {  	_ =	swait.ge [sflag:s29], $0x80  }
0x57: {  	[sflag:s29] =	ssyncset.done $0x0  }
0x58: {  	[sflag:s29] =	ssyncadd.s32 $0xFFFFFF80  }
0x59: {  	_ =	swait.ge [sflag:s29], $0x80  }
0x5a: {  	[sflag:s29] =	ssyncset.done $0x0  }
0x5b: {  	[sflag:s29] =	ssyncadd.s32 $0xFFFFFF80  }
0x5c: {  	[tilespmem:s25], [sflag:$0x3] =	stream.indirect.gather [hbm4b:s0+s30], $0x80, s4, s30, $0xb8;
	[tilespmem:$0x1EA00] =	vst v63  }
0x5d: {  	s17 =	rddreg [dreg:$0x10]  }
0x5e: {  	[tilespmem:s30], [sflag:$0x2] =	stream.linear.gather [hbm4b:s17+s4], $0x80, $0x38;
	[tilespmem:$0x1EA00] =	vst v63  }
0x5f: {  	s15 =	simm.s32 $0xFFFFF620;
	s18 =	rddreg [dreg:$0x11]  }
0x60: {  	[tilespmem:s31], [sflag:$0x2] =	stream.linear.gather [hbm4b:s18+s4], $0x80, $0x38;
	[tilespmem:$0x1EA00] =	vst v63  }
.LBB2_10:
0x61: {  	_ =	swait.ge [sflag:s2], $0x80  }
0x62: {  	[sflag:s2] =	ssyncset.done $0x0  }
0x63: {  	[sflag:s2] =	ssyncadd.s32 $0xFFFFFF80  }
0x64: {  	_ =	swait.ge [sflag:s2], $0x80  }
0x65: {  	[sflag:s2] =	ssyncset.done $0x0  }
0x66: {  	[sflag:s2] =	ssyncadd.s32 $0xFFFFFF80  }
0x67: {  	[tilespmem:s10], [sflag:$0x4] =	stream.indirect.gather [hbm4b:s0+s30], $0x80, s30, s30, $0xb8;
	[tilespmem:$0x1EA00] =	vst v63  }
0x68: {  	_ =	swait.ge [sflag:s11], $0x4000  }
0x69: {  	[sflag:s11] =	ssyncset.done $0x0  }
0x6a: {  	[sflag:s11] =	ssyncadd.s32 $0xFFFFC000  }
0x6b: {  	[spmem:s3] =	stream.indirect.scatter.add.f32 [tilespmem:s25], [sflag:$0x5], $0x80, s28, s30, $0xb8;
	[tilespmem:$0x1EA00] =	vst v63  }
0x6c: {  	_ =	swait.ge [sflag:s26], $0x4000  }
0x6d: {  	[sflag:s26] =	ssyncset.done $0x0  }
0x6e: {  	[sflag:s26] =	ssyncadd.s32 $0xFFFFC000  }
0x6f: {  	v2 =	vld [tilespmem:$0x100];
	_ =	sdelay $0x7  }
0x70: {  	[tilespmem:v2+s12+$0x0] =	vst.idx.add.f32.msk $0xffff, v1  }
0x71: {  	v2 =	vld [tilespmem:$0x110];
	_ =	sdelay $0x7  }
0x72: {  	[tilespmem:v2+s12+$0x0] =	vst.idx.add.f32.msk $0xffff, v1  }
0x73: {  	v2 =	vld [tilespmem:$0x120];
	_ =	sdelay $0x7  }
0x74: {  	[tilespmem:v2+s12+$0x0] =	vst.idx.add.f32.msk $0xffff, v1  }
0x75: {  	v2 =	vld [tilespmem:$0x130];
	_ =	sdelay $0x7  }
0x76: {  	[tilespmem:v2+s12+$0x0] =	vst.idx.add.f32.msk $0xffff, v1  }
0x77: {  	v2 =	vld [tilespmem:$0x140];
	_ =	sdelay $0x7  }
0x78: {  	[tilespmem:v2+s12+$0x0] =	vst.idx.add.f32.msk $0xffff, v1  }
0x79: {  	v2 =	vld [tilespmem:$0x150];
	_ =	sdelay $0x7  }
0x7a: {  	[tilespmem:v2+s12+$0x0] =	vst.idx.add.f32.msk $0xffff, v1  }
0x7b: {  	v2 =	vld [tilespmem:$0x160];
	_ =	sdelay $0x7  }
0x7c: {  	[tilespmem:v2+s12+$0x0] =	vst.idx.add.f32.msk $0xffff, v1  }
0x7d: {  	v2 =	vld [tilespmem:$0x170];
	_ =	sdelay $0x6  }
0x7e: {  	s1 =	sadd.s32 s15, s24  }
0x7f: {  	s18 =	sadd.s32 s15, s23;
	s6 =	sadd.s32 $0xA00, s1;
	[tilespmem:v2+s12+$0x0] =	vst.idx.add.f32.msk $0xffff, v1  }
0x80: {  	[tilespmem:s4], [sflag:$0x1] =	stream.linear.gather [hbm4b:s6+s4], $0x80, $0x38;
	[tilespmem:$0x1EA00] =	vst v63  }
0x81: {  	s17 =	sadd.s32 $0xA00, s18  }
0x82: {  	[tilespmem:s28], [sflag:$0x1] =	stream.linear.gather [hbm4b:s17+s4], $0x80, $0x38;
	[tilespmem:$0x1EA00] =	vst v63  }
0x83: {  	_ =	swait.ge [sflag:s29], $0x80  }
0x84: {  	[sflag:s29] =	ssyncset.done $0x0  }
0x85: {  	[sflag:s29] =	ssyncadd.s32 $0xFFFFFF80  }
0x86: {  	_ =	swait.ge [sflag:s29], $0x80  }
0x87: {  	[sflag:s29] =	ssyncset.done $0x0  }
0x88: {  	[sflag:s29] =	ssyncadd.s32 $0xFFFFFF80  }
0x89: {  	[tilespmem:s25], [sflag:$0x3] =	stream.indirect.gather [hbm4b:s0+s30], $0x80, s4, s30, $0xb8;
	[tilespmem:$0x1EA00] =	vst v63  }
0x8a: {  	_ =	swait.ge [sflag:s13], $0x4000  }
0x8b: {  	[sflag:s13] =	ssyncset.done $0x0  }
0x8c: {  	[sflag:s13] =	ssyncadd.s32 $0xFFFFC000  }
0x8d: {  	[spmem:s3] =	stream.indirect.scatter.add.f32 [tilespmem:s10], [sflag:$0x5], $0x80, s31, s30, $0xb8;
	[tilespmem:$0x1EA00] =	vst v63  }
0x8e: {  	_ =	swait.ge [sflag:s26], $0x4000  }
0x8f: {  	[sflag:s26] =	ssyncset.done $0x0  }
0x90: {  	[sflag:s26] =	ssyncadd.s32 $0xFFFFC000  }
0x91: {  	v2 =	vld [tilespmem:$0x180];
	_ =	sdelay $0x7  }
0x92: {  	[tilespmem:v2+s12+$0x0] =	vst.idx.add.f32.msk $0xffff, v1  }
0x93: {  	v2 =	vld [tilespmem:$0x190];
	_ =	sdelay $0x7  }
0x94: {  	[tilespmem:v2+s12+$0x0] =	vst.idx.add.f32.msk $0xffff, v1  }
0x95: {  	v2 =	vld [tilespmem:$0x1A0];
	_ =	sdelay $0x7  }
0x96: {  	[tilespmem:v2+s12+$0x0] =	vst.idx.add.f32.msk $0xffff, v1  }
0x97: {  	v2 =	vld [tilespmem:$0x1B0];
	_ =	sdelay $0x7  }
0x98: {  	[tilespmem:v2+s12+$0x0] =	vst.idx.add.f32.msk $0xffff, v1  }
0x99: {  	v2 =	vld [tilespmem:$0x1C0];
	_ =	sdelay $0x7  }
0x9a: {  	[tilespmem:v2+s12+$0x0] =	vst.idx.add.f32.msk $0xffff, v1  }
0x9b: {  	v2 =	vld [tilespmem:$0x1D0];
	_ =	sdelay $0x7  }
0x9c: {  	[tilespmem:v2+s12+$0x0] =	vst.idx.add.f32.msk $0xffff, v1  }
0x9d: {  	v2 =	vld [tilespmem:$0x1E0];
	_ =	sdelay $0x7  }
0x9e: {  	[tilespmem:v2+s12+$0x0] =	vst.idx.add.f32.msk $0xffff, v1  }
0x9f: {  	v2 =	vld [tilespmem:$0x1F0];
	_ =	sdelay $0x5  }
0xa0: {  	p1 =	sne.s32 s15, $0xFFFFFFE0  }
.Ltmp5:
0xa1: {  	_ = 	snop;
	(pc) =	sbr.rel @p1 .LBB2_10-.Ltmp5, $4  }
0xa2: {  	s1 =	sadd.s32 $0xA10, s1;
	[tilespmem:v2+s12+$0x0] =	vst.idx.add.f32.msk $0xffff, v1  }
0xa3: {  	[tilespmem:s30], [sflag:$0x2] =	stream.linear.gather [hbm4b:s1+s4], $0x80, $0x38;
	[tilespmem:$0x1EA00] =	vst v63  }
0xa4: {  	s15 =	sadd.s32 $0x20, s15;
	s18 =	sadd.s32 $0xA10, s18  }
0xa5: {  	[tilespmem:s31], [sflag:$0x2] =	stream.linear.gather [hbm4b:s18+s4], $0x80, $0x38;
	[tilespmem:$0x1EA00] =	vst v63  }
0xa6: {  	_ =	swait.ge [sflag:s2], $0x80  }
0xa7: {  	[sflag:s2] =	ssyncset.done $0x0  }
0xa8: {  	[sflag:s2] =	ssyncadd.s32 $0xFFFFFF80  }
0xa9: {  	_ =	swait.ge [sflag:s2], $0x80  }
0xaa: {  	[sflag:s2] =	ssyncset.done $0x0  }
0xab: {  	[sflag:s2] =	ssyncadd.s32 $0xFFFFFF80  }
0xac: {  	[tilespmem:s10], [sflag:$0x4] =	stream.indirect.gather [hbm4b:s0+s30], $0x80, s30, s30, $0xb8;
	[tilespmem:$0x1EA00] =	vst v63  }
0xad: {  	_ =	swait.ge [sflag:s11], $0x4000  }
0xae: {  	[sflag:s11] =	ssyncset.done $0x0  }
0xaf: {  	[sflag:s11] =	ssyncadd.s32 $0xFFFFC000  }
0xb0: {  	[spmem:s3] =	stream.indirect.scatter.add.f32 [tilespmem:s25], [sflag:$0x5], $0x80, s28, s30, $0xb8;
	[tilespmem:$0x1EA00] =	vst v63  }
0xb1: {  	_ =	swait.ge [sflag:s26], $0x4000  }
0xb2: {  	[sflag:s26] =	ssyncset.done $0x0  }
0xb3: {  	[sflag:s26] =	ssyncadd.s32 $0xFFFFC000  }
0xb4: {  	v2 =	vld [tilespmem:$0x100];
	_ =	sdelay $0x7  }
0xb5: {  	[tilespmem:v2+s12+$0x0] =	vst.idx.add.f32.msk $0xffff, v1  }
0xb6: {  	v2 =	vld [tilespmem:$0x110];
	_ =	sdelay $0x7  }
0xb7: {  	[tilespmem:v2+s12+$0x0] =	vst.idx.add.f32.msk $0xffff, v1  }
0xb8: {  	v2 =	vld [tilespmem:$0x120];
	_ =	sdelay $0x7  }
0xb9: {  	[tilespmem:v2+s12+$0x0] =	vst.idx.add.f32.msk $0xffff, v1  }
0xba: {  	v2 =	vld [tilespmem:$0x130];
	_ =	sdelay $0x7  }
0xbb: {  	[tilespmem:v2+s12+$0x0] =	vst.idx.add.f32.msk $0xffff, v1  }
0xbc: {  	v2 =	vld [tilespmem:$0x140];
	_ =	sdelay $0x7  }
0xbd: {  	[tilespmem:v2+s12+$0x0] =	vst.idx.add.f32.msk $0xffff, v1  }
0xbe: {  	v2 =	vld [tilespmem:$0x150];
	_ =	sdelay $0x7  }
0xbf: {  	[tilespmem:v2+s12+$0x0] =	vst.idx.add.f32.msk $0xffff, v1  }
0xc0: {  	v2 =	vld [tilespmem:$0x160];
	_ =	sdelay $0x7  }
0xc1: {  	[tilespmem:v2+s12+$0x0] =	vst.idx.add.f32.msk $0xffff, v1  }
0xc2: {  	v2 =	vld [tilespmem:$0x170];
	_ =	sdelay $0x7  }
0xc3: {  	[tilespmem:v2+s12+$0x0] =	vst.idx.add.f32.msk $0xffff, v1  }
0xc4: {  	_ =	swait.ge [sflag:s13], $0x4000  }
0xc5: {  	[sflag:s13] =	ssyncset.done $0x0  }
0xc6: {  	[sflag:s13] =	ssyncadd.s32 $0xFFFFC000  }
0xc7: {  	[spmem:s3] =	stream.indirect.scatter.add.f32 [tilespmem:s10], [sflag:$0x5], $0x80, s31, s30, $0xb8;
	[tilespmem:$0x1EA00] =	vst v63  }
0xc8: {  	_ =	swait.ge [sflag:s26], $0x4000  }
0xc9: {  	[sflag:s26] =	ssyncset.done $0x0  }
0xca: {  	[sflag:s26] =	ssyncadd.s32 $0xFFFFC000  }
0xcb: {  	v2 =	vld [tilespmem:$0x180];
	_ =	sdelay $0x7  }
0xcc: {  	[tilespmem:v2+s12+$0x0] =	vst.idx.add.f32.msk $0xffff, v1  }
0xcd: {  	v2 =	vld [tilespmem:$0x190];
	_ =	sdelay $0x7  }
0xce: {  	[tilespmem:v2+s12+$0x0] =	vst.idx.add.f32.msk $0xffff, v1  }
0xcf: {  	v2 =	vld [tilespmem:$0x1A0];
	_ =	sdelay $0x7  }
0xd0: {  	[tilespmem:v2+s12+$0x0] =	vst.idx.add.f32.msk $0xffff, v1  }
0xd1: {  	v2 =	vld [tilespmem:$0x1B0];
	_ =	sdelay $0x7  }
0xd2: {  	[tilespmem:v2+s12+$0x0] =	vst.idx.add.f32.msk $0xffff, v1  }
0xd3: {  	v2 =	vld [tilespmem:$0x1C0];
	_ =	sdelay $0x7  }
0xd4: {  	[tilespmem:v2+s12+$0x0] =	vst.idx.add.f32.msk $0xffff, v1  }
0xd5: {  	v2 =	vld [tilespmem:$0x1D0];
	_ =	sdelay $0x3  }
.Ltmp6:
0xd6: {  	_ = 	snop;
	(pc) =	sbr.rel .LBB2_12-.Ltmp6, $2  }
0xd7: {  	_ =	sdelay $0x2  }
0xd8: {  	[tilespmem:v2+s12+$0x0] =	vst.idx.add.f32.msk $0xffff, v1  }
.LBB2_6:
0xd9: {  	s1 =	rddreg [dreg:$0xa]  }
0xda: {  	[tilespmem:s4], [sflag:$0x1] =	stream.linear.gather [hbm4b:s1+s4], $0x80, $0x38;
	[tilespmem:$0x1EA00] =	vst v63  }
0xdb: {  	s15 =	rddreg [dreg:$0xb]  }
0xdc: {  	[tilespmem:s28], [sflag:$0x1] =	stream.linear.gather [hbm4b:s15+s4], $0x80, $0x38;
	[tilespmem:$0x1EA00] =	vst v63  }
0xdd: {  	_ =	swait.ge [sflag:s29], $0x80  }
0xde: {  	[sflag:s29] =	ssyncset.done $0x0  }
0xdf: {  	[sflag:s29] =	ssyncadd.s32 $0xFFFFFF80  }
0xe0: {  	_ =	swait.ge [sflag:s29], $0x80  }
0xe1: {  	[sflag:s29] =	ssyncset.done $0x0  }
0xe2: {  	[sflag:s29] =	ssyncadd.s32 $0xFFFFFF80  }
0xe3: {  	[tilespmem:s25], [sflag:$0x3] =	stream.indirect.gather [hbm4b:s0+s30], $0x80, s4, s30, $0xb8;
	[tilespmem:$0x1EA00] =	vst v63  }
0xe4: {  	s17 =	rddreg [dreg:$0xc]  }
0xe5: {  	[tilespmem:s30], [sflag:$0x2] =	stream.linear.gather [hbm4b:s17+s4], $0x80, $0x38;
	[tilespmem:$0x1EA00] =	vst v63  }
0xe6: {  	s15 =	simm.s32 $0xFFFFF620;
	s18 =	rddreg [dreg:$0xd]  }
0xe7: {  	[tilespmem:s31], [sflag:$0x2] =	stream.linear.gather [hbm4b:s18+s4], $0x80, $0x38;
	[tilespmem:$0x1EA00] =	vst v63  }
.LBB2_7:
0xe8: {  	_ =	swait.ge [sflag:s2], $0x80  }
0xe9: {  	[sflag:s2] =	ssyncset.done $0x0  }
0xea: {  	[sflag:s2] =	ssyncadd.s32 $0xFFFFFF80  }
0xeb: {  	_ =	swait.ge [sflag:s2], $0x80  }
0xec: {  	[sflag:s2] =	ssyncset.done $0x0  }
0xed: {  	[sflag:s2] =	ssyncadd.s32 $0xFFFFFF80  }
0xee: {  	[tilespmem:s10], [sflag:$0x4] =	stream.indirect.gather [hbm4b:s0+s30], $0x80, s30, s30, $0xb8;
	[tilespmem:$0x1EA00] =	vst v63  }
0xef: {  	_ =	swait.ge [sflag:s11], $0x4000  }
0xf0: {  	[sflag:s11] =	ssyncset.done $0x0  }
0xf1: {  	[sflag:s11] =	ssyncadd.s32 $0xFFFFC000  }
0xf2: {  	[spmem:s3] =	stream.indirect.scatter.add.f32 [tilespmem:s25], [sflag:$0x5], $0x80, s28, s30, $0xb8;
	[tilespmem:$0x1EA00] =	vst v63  }
0xf3: {  	_ =	swait.ge [sflag:s26], $0x4000  }
0xf4: {  	[sflag:s26] =	ssyncset.done $0x0  }
0xf5: {  	[sflag:s26] =	ssyncadd.s32 $0xFFFFC000  }
0xf6: {  	v2 =	vld [tilespmem:$0x100];
	_ =	sdelay $0x7  }
0xf7: {  	[tilespmem:v2+s12+$0x0] =	vst.idx.add.f32.msk $0xffff, v1  }
0xf8: {  	v2 =	vld [tilespmem:$0x110];
	_ =	sdelay $0x7  }
0xf9: {  	[tilespmem:v2+s12+$0x0] =	vst.idx.add.f32.msk $0xffff, v1  }
0xfa: {  	v2 =	vld [tilespmem:$0x120];
	_ =	sdelay $0x7  }
0xfb: {  	[tilespmem:v2+s12+$0x0] =	vst.idx.add.f32.msk $0xffff, v1  }
0xfc: {  	v2 =	vld [tilespmem:$0x130];
	_ =	sdelay $0x7  }
0xfd: {  	[tilespmem:v2+s12+$0x0] =	vst.idx.add.f32.msk $0xffff, v1  }
0xfe: {  	v2 =	vld [tilespmem:$0x140];
	_ =	sdelay $0x7  }
0xff: {  	[tilespmem:v2+s12+$0x0] =	vst.idx.add.f32.msk $0xffff, v1  }
0x100: {  	v2 =	vld [tilespmem:$0x150];
	_ =	sdelay $0x7  }
0x101: {  	[tilespmem:v2+s12+$0x0] =	vst.idx.add.f32.msk $0xffff, v1  }
0x102: {  	v2 =	vld [tilespmem:$0x160];
	_ =	sdelay $0x7  }
0x103: {  	[tilespmem:v2+s12+$0x0] =	vst.idx.add.f32.msk $0xffff, v1  }
0x104: {  	v2 =	vld [tilespmem:$0x170];
	_ =	sdelay $0x6  }
0x105: {  	s1 =	sadd.s32 s15, s22  }
0x106: {  	s18 =	sadd.s32 s15, s21;
	s6 =	sadd.s32 $0xA00, s1;
	[tilespmem:v2+s12+$0x0] =	vst.idx.add.f32.msk $0xffff, v1  }
0x107: {  	[tilespmem:s4], [sflag:$0x1] =	stream.linear.gather [hbm4b:s6+s4], $0x80, $0x38;
	[tilespmem:$0x1EA00] =	vst v63  }
0x108: {  	s17 =	sadd.s32 $0xA00, s18  }
0x109: {  	[tilespmem:s28], [sflag:$0x1] =	stream.linear.gather [hbm4b:s17+s4], $0x80, $0x38;
	[tilespmem:$0x1EA00] =	vst v63  }
0x10a: {  	_ =	swait.ge [sflag:s29], $0x80  }
0x10b: {  	[sflag:s29] =	ssyncset.done $0x0  }
0x10c: {  	[sflag:s29] =	ssyncadd.s32 $0xFFFFFF80  }
0x10d: {  	_ =	swait.ge [sflag:s29], $0x80  }
0x10e: {  	[sflag:s29] =	ssyncset.done $0x0  }
0x10f: {  	[sflag:s29] =	ssyncadd.s32 $0xFFFFFF80  }
0x110: {  	[tilespmem:s25], [sflag:$0x3] =	stream.indirect.gather [hbm4b:s0+s30], $0x80, s4, s30, $0xb8;
	[tilespmem:$0x1EA00] =	vst v63  }
0x111: {  	_ =	swait.ge [sflag:s13], $0x4000  }
0x112: {  	[sflag:s13] =	ssyncset.done $0x0  }
0x113: {  	[sflag:s13] =	ssyncadd.s32 $0xFFFFC000  }
0x114: {  	[spmem:s3] =	stream.indirect.scatter.add.f32 [tilespmem:s10], [sflag:$0x5], $0x80, s31, s30, $0xb8;
	[tilespmem:$0x1EA00] =	vst v63  }
0x115: {  	_ =	swait.ge [sflag:s26], $0x4000  }
0x116: {  	[sflag:s26] =	ssyncset.done $0x0  }
0x117: {  	[sflag:s26] =	ssyncadd.s32 $0xFFFFC000  }
0x118: {  	v2 =	vld [tilespmem:$0x180];
	_ =	sdelay $0x7  }
0x119: {  	[tilespmem:v2+s12+$0x0] =	vst.idx.add.f32.msk $0xffff, v1  }
0x11a: {  	v2 =	vld [tilespmem:$0x190];
	_ =	sdelay $0x7  }
0x11b: {  	[tilespmem:v2+s12+$0x0] =	vst.idx.add.f32.msk $0xffff, v1  }
0x11c: {  	v2 =	vld [tilespmem:$0x1A0];
	_ =	sdelay $0x7  }
0x11d: {  	[tilespmem:v2+s12+$0x0] =	vst.idx.add.f32.msk $0xffff, v1  }
0x11e: {  	v2 =	vld [tilespmem:$0x1B0];
	_ =	sdelay $0x7  }
0x11f: {  	[tilespmem:v2+s12+$0x0] =	vst.idx.add.f32.msk $0xffff, v1  }
0x120: {  	v2 =	vld [tilespmem:$0x1C0];
	_ =	sdelay $0x7  }
0x121: {  	[tilespmem:v2+s12+$0x0] =	vst.idx.add.f32.msk $0xffff, v1  }
0x122: {  	v2 =	vld [tilespmem:$0x1D0];
	_ =	sdelay $0x7  }
0x123: {  	[tilespmem:v2+s12+$0x0] =	vst.idx.add.f32.msk $0xffff, v1  }
0x124: {  	v2 =	vld [tilespmem:$0x1E0];
	_ =	sdelay $0x7  }
0x125: {  	[tilespmem:v2+s12+$0x0] =	vst.idx.add.f32.msk $0xffff, v1  }
0x126: {  	v2 =	vld [tilespmem:$0x1F0];
	_ =	sdelay $0x5  }
0x127: {  	p1 =	sne.s32 s15, $0xFFFFFFE0  }
.Ltmp7:
0x128: {  	_ = 	snop;
	(pc) =	sbr.rel @p1 .LBB2_7-.Ltmp7, $4  }
0x129: {  	s1 =	sadd.s32 $0xA10, s1;
	[tilespmem:v2+s12+$0x0] =	vst.idx.add.f32.msk $0xffff, v1  }
0x12a: {  	[tilespmem:s30], [sflag:$0x2] =	stream.linear.gather [hbm4b:s1+s4], $0x80, $0x38;
	[tilespmem:$0x1EA00] =	vst v63  }
0x12b: {  	s15 =	sadd.s32 $0x20, s15;
	s18 =	sadd.s32 $0xA10, s18  }
0x12c: {  	[tilespmem:s31], [sflag:$0x2] =	stream.linear.gather [hbm4b:s18+s4], $0x80, $0x38;
	[tilespmem:$0x1EA00] =	vst v63  }
0x12d: {  	_ =	swait.ge [sflag:s2], $0x80  }
0x12e: {  	[sflag:s2] =	ssyncset.done $0x0  }
0x12f: {  	[sflag:s2] =	ssyncadd.s32 $0xFFFFFF80  }
0x130: {  	_ =	swait.ge [sflag:s2], $0x80  }
0x131: {  	[sflag:s2] =	ssyncset.done $0x0  }
0x132: {  	[sflag:s2] =	ssyncadd.s32 $0xFFFFFF80  }
0x133: {  	[tilespmem:s10], [sflag:$0x4] =	stream.indirect.gather [hbm4b:s0+s30], $0x80, s30, s30, $0xb8;
	[tilespmem:$0x1EA00] =	vst v63  }
0x134: {  	_ =	swait.ge [sflag:s11], $0x4000  }
0x135: {  	[sflag:s11] =	ssyncset.done $0x0  }
0x136: {  	[sflag:s11] =	ssyncadd.s32 $0xFFFFC000  }
0x137: {  	[spmem:s3] =	stream.indirect.scatter.add.f32 [tilespmem:s25], [sflag:$0x5], $0x80, s28, s30, $0xb8;
	[tilespmem:$0x1EA00] =	vst v63  }
0x138: {  	_ =	swait.ge [sflag:s26], $0x4000  }
0x139: {  	[sflag:s26] =	ssyncset.done $0x0  }
0x13a: {  	[sflag:s26] =	ssyncadd.s32 $0xFFFFC000  }
0x13b: {  	v2 =	vld [tilespmem:$0x100];
	_ =	sdelay $0x7  }
0x13c: {  	[tilespmem:v2+s12+$0x0] =	vst.idx.add.f32.msk $0xffff, v1  }
0x13d: {  	v2 =	vld [tilespmem:$0x110];
	_ =	sdelay $0x7  }
0x13e: {  	[tilespmem:v2+s12+$0x0] =	vst.idx.add.f32.msk $0xffff, v1  }
0x13f: {  	v2 =	vld [tilespmem:$0x120];
	_ =	sdelay $0x7  }
0x140: {  	[tilespmem:v2+s12+$0x0] =	vst.idx.add.f32.msk $0xffff, v1  }
0x141: {  	v2 =	vld [tilespmem:$0x130];
	_ =	sdelay $0x7  }
0x142: {  	[tilespmem:v2+s12+$0x0] =	vst.idx.add.f32.msk $0xffff, v1  }
0x143: {  	v2 =	vld [tilespmem:$0x140];
	_ =	sdelay $0x7  }
0x144: {  	[tilespmem:v2+s12+$0x0] =	vst.idx.add.f32.msk $0xffff, v1  }
0x145: {  	v2 =	vld [tilespmem:$0x150];
	_ =	sdelay $0x7  }
0x146: {  	[tilespmem:v2+s12+$0x0] =	vst.idx.add.f32.msk $0xffff, v1  }
0x147: {  	v2 =	vld [tilespmem:$0x160];
	_ =	sdelay $0x7  }
0x148: {  	[tilespmem:v2+s12+$0x0] =	vst.idx.add.f32.msk $0xffff, v1  }
0x149: {  	v2 =	vld [tilespmem:$0x170];
	_ =	sdelay $0x7  }
0x14a: {  	[tilespmem:v2+s12+$0x0] =	vst.idx.add.f32.msk $0xffff, v1  }
0x14b: {  	_ =	swait.ge [sflag:s13], $0x4000  }
0x14c: {  	[sflag:s13] =	ssyncset.done $0x0  }
0x14d: {  	[sflag:s13] =	ssyncadd.s32 $0xFFFFC000  }
0x14e: {  	[spmem:s3] =	stream.indirect.scatter.add.f32 [tilespmem:s10], [sflag:$0x5], $0x80, s31, s30, $0xb8;
	[tilespmem:$0x1EA00] =	vst v63  }
0x14f: {  	_ =	swait.ge [sflag:s26], $0x4000  }
0x150: {  	[sflag:s26] =	ssyncset.done $0x0  }
0x151: {  	[sflag:s26] =	ssyncadd.s32 $0xFFFFC000  }
0x152: {  	v2 =	vld [tilespmem:$0x180];
	_ =	sdelay $0x7  }
0x153: {  	[tilespmem:v2+s12+$0x0] =	vst.idx.add.f32.msk $0xffff, v1  }
0x154: {  	v2 =	vld [tilespmem:$0x190];
	_ =	sdelay $0x7  }
0x155: {  	[tilespmem:v2+s12+$0x0] =	vst.idx.add.f32.msk $0xffff, v1  }
0x156: {  	v2 =	vld [tilespmem:$0x1A0];
	_ =	sdelay $0x7  }
0x157: {  	[tilespmem:v2+s12+$0x0] =	vst.idx.add.f32.msk $0xffff, v1  }
0x158: {  	v2 =	vld [tilespmem:$0x1B0];
	_ =	sdelay $0x7  }
0x159: {  	[tilespmem:v2+s12+$0x0] =	vst.idx.add.f32.msk $0xffff, v1  }
0x15a: {  	v2 =	vld [tilespmem:$0x1C0];
	_ =	sdelay $0x7  }
0x15b: {  	[tilespmem:v2+s12+$0x0] =	vst.idx.add.f32.msk $0xffff, v1  }
0x15c: {  	v2 =	vld [tilespmem:$0x1D0];
	_ =	sdelay $0x3  }
.Ltmp8:
0x15d: {  	_ = 	snop;
	(pc) =	sbr.rel .LBB2_12-.Ltmp8, $2  }
0x15e: {  	_ =	sdelay $0x2  }
0x15f: {  	[tilespmem:v2+s12+$0x0] =	vst.idx.add.f32.msk $0xffff, v1  }
.LBB2_13:
0x160: {  	_ =	sfence.sel $0x180000  }
0x161: {  	[bflag:$0x0] =	sbarrier.arrive $0xFFFF  }
0x162: {  	_ =	strace $0x90000047  }
0x163: {  	s0 =	stileid.u32;
	[bflag:$0x2] =	sbarrier.arrive $0xFFFF  }
0x164: {  	p0 =	sne.s32 s0, $0x0;
	s0 =	rddreg [dreg:$0x8]  }
0x165: {  	s0 =	sadd.s32 @!p0 $0x100000, s0  }
0x166: {  	[sflag:s0] =	ssyncadd.tile.s32 @!p0 $0x1;
	_ =	shalt  }
.Lfunc_end2:
_tile_overlayer_lowered:
.L_overlay_start_2:
0x167: {  	(tag) =	ssettag $0x2  }
0x168: {  	s0 =	rddreg [dreg:$0x0];
	s2 =	stileid.u32  }
0x169: {  	s1 =	rddreg [dreg:$0x1];
	p0 =	sne.s32 s2, $0x0  }
0x16a: {  	s3 =	rddreg [dreg:$0x2];
	[bflag:$0x3] =	sbarrier.arrive $0xFFFF;
	s2 =	simm.s32 @!p0 $0x1C05  }
0x16b: {  	[timem:s3], [sflag:s2] =	dma.local @!p0 [hbm:s0], s1  }
0x16c: {  	s0 =	simm.s32 @!p0 $0x5  }
0x16d: {  	_ =	swait.ge @!p0 [sflag:s0], s1  }
0x16e: {  	s1 =	ssub.s32 @!p0 $0x0, s1;
	[sflag:s0] =	ssyncset.done @!p0 $0x0  }
0x16f: {  	[sflag:s0] =	ssyncadd.s32 @!p0 s1  }
0x170: {  	[bflag:$0x3] =	sbarrier.arrive $0xFFFF  }
0x171: {  	_ =	shalt  }

</sc_bundles>
